<compile_context>
chip_gen: v7x
topology: tpu7x:2x2x1
jax: 0.10.2.dev20260603
libtpu: 0.0.44.dev20260713+nightly
codegen_flags: <defaults>
</compile_context>

<pallas_src>
import jax
import jax.numpy as jnp
from jax import lax
from jax.experimental import pallas as pl
from jax.experimental.pallas import tpu as pltpu
from jax.experimental.pallas import tpu_sc as plsc

_N = 20000
_PAD = 20480
_NS = 16
_PER = _PAD // _NS
_NV = _PER // 16
_MAX_DET = 100
_SCORE_THRESH = 0.05
_NMS_THRESH = 0.5
_NEG = float("-inf")
_IMAX = 2147483647


def _gather1(ref, idx):
    return plsc.load_gather(ref, [idx])


def _nms_body(x1h, y1h, x2h, y2h, sch, outh,
              x1v, y1v, x2v, y2v, areav, livev, recw, rdbuf, rowsv, rec_sh):
    sid = lax.axis_index("s")
    base = sid * _PER
    iota = lax.iota(jnp.int32, 16)

    pltpu.sync_copy(x1h.at[pl.ds(base, _PER)], x1v)
    pltpu.sync_copy(y1h.at[pl.ds(base, _PER)], y1v)
    pltpu.sync_copy(x2h.at[pl.ds(base, _PER)], x2v)
    pltpu.sync_copy(y2h.at[pl.ds(base, _PER)], y2v)
    pltpu.sync_copy(sch.at[pl.ds(base, _PER)], livev)

    neg = jnp.full((16,), _NEG, jnp.float32)
    zero_i = jnp.zeros((16,), jnp.int32)
    ibase_iota = base + iota

    def init_j(j, carry):
        rm, rj = carry
        s = pl.ds(j * 16, 16)
        lx1 = x1v[s]
        ly1 = y1v[s]
        lx2 = x2v[s]
        ly2 = y2v[s]
        areav[s] = jnp.maximum(lx2 - lx1, 0.0) * jnp.maximum(ly2 - ly1, 0.0)
        v = livev[s]
        lv = jnp.where(v > _SCORE_THRESH, v, _NEG)
        livev[s] = lv
        upd = lv > rm
        return jnp.where(upd, lv, rm), jnp.where(upd, j, rj)

    rm0, rj0 = lax.fori_loop(0, _NV, init_j, (neg, zero_i))

    def round_k(k, carry):
        rm, rj = carry

        ri = ibase_iota + rj * 16
        lm = jnp.max(rm)
        li = jnp.min(jnp.where(rm == lm, ri, _IMAX))
        lloc = jnp.full((16,), li - base, jnp.int32)
        wx1 = _gather1(x1v, lloc)
        wy1 = _gather1(y1v, lloc)
        wx2 = _gather1(x2v, lloc)
        wy2 = _gather1(y2v, lloc)
        lif = jnp.full((16,), li, jnp.int32).astype(jnp.float32)
        rec = jnp.where(iota == 0, jnp.full((16,), lm),
              jnp.where(iota == 1, wx1,
              jnp.where(iota == 2, wy1,
              jnp.where(iota == 3, wx2,
              jnp.where(iota == 4, wy2,
              jnp.where(iota == 5, lif, 0.0))))))
        boff = lax.rem(k, 2) * (_NS * 16)
        recw[...] = rec
        pltpu.sync_copy(recw, rec_sh.at[pl.ds(boff + sid * 16, 16)])
        plsc.subcore_barrier()
        pltpu.sync_copy(rec_sh.at[pl.ds(boff, _NS * 16)], rdbuf)

        m0 = iota == 0
        m5 = iota == 5
        items = []
        for r in range(_NS):
            cand = rdbuf[pl.ds(r * 16, 16)]
            cs = jnp.max(jnp.where(m0, cand, _NEG))
            ci = jnp.max(jnp.where(m5, cand, -1.0))
            items.append((cs, ci, cand))
        while len(items) > 1:
            nxt = []
            for a, b in zip(items[0::2], items[1::2]):
                take = (b[0] > a[0]) | ((b[0] == a[0]) & (b[1] < a[1]))
                nxt.append((jnp.where(take, b[0], a[0]),
                            jnp.where(take, b[1], a[1]),
                            jnp.where(take, b[2], a[2])))
            items = nxt
        bs, bi, best = items[0]
        m = bs
        bx1 = jnp.max(jnp.where(iota == 1, best, _NEG))
        by1 = jnp.max(jnp.where(iota == 2, best, _NEG))
        bx2 = jnp.max(jnp.where(iota == 3, best, _NEG))
        by2 = jnp.max(jnp.where(iota == 4, best, _NEG))
        valid = m > _NEG
        a1 = jnp.maximum(bx2 - bx1, 0.0) * jnp.maximum(by2 - by1, 0.0)

        @pl.when(sid == 0)
        def _():
            row = jnp.where(iota == 0, jnp.full((16,), bx1),
                  jnp.where(iota == 1, jnp.full((16,), by1),
                  jnp.where(iota == 2, jnp.full((16,), bx2),
                  jnp.where(iota == 3, jnp.full((16,), by2),
                  jnp.where(iota == 4, jnp.full((16,), m), 0.0)))))
            rowsv[pl.ds(k * 16, 16)] = jnp.where(valid, row, 0.0)

        def supp_j(j, c):
            nrm, nrj = c
            for u in range(4):
                ju = j * 4 + u
                s = pl.ds(ju * 16, 16)
                xx1 = jnp.maximum(bx1, x1v[s])
                yy1 = jnp.maximum(by1, y1v[s])
                xx2 = jnp.minimum(bx2, x2v[s])
                yy2 = jnp.minimum(by2, y2v[s])
                inter = jnp.maximum(xx2 - xx1, 0.0) * jnp.maximum(yy2 - yy1, 0.0)
                iou = inter / (a1 + areav[s] - inter + 1e-9)
                kill = iou > _NMS_THRESH
                nv = jnp.where(kill, _NEG, livev[s])
                livev[s] = nv
                upd = nv > nrm
                nrm = jnp.where(upd, nv, nrm)
                nrj = jnp.where(upd, ju, nrj)
            return nrm, nrj

        return lax.fori_loop(0, _NV // 4, supp_j, (neg, zero_i))

    lax.fori_loop(0, _MAX_DET, round_k, (rm0, rj0))

    @pl.when(sid == 0)
    def _():
        pltpu.sync_copy(rowsv, outh)


@jax.jit
def _nms(x1, y1, x2, y2, sc):
    mesh = plsc.VectorSubcoreMesh(
        core_axis_name="c", subcore_axis_name="s", num_cores=1,
        num_subcores=_NS)
    return pl.kernel(
        _nms_body,
        out_type=jax.ShapeDtypeStruct((_MAX_DET * 16,), jnp.float32),
        mesh=mesh,
        compiler_params=pltpu.CompilerParams(needs_layout_passes=False),
        scratch_types=[
            pltpu.VMEM((_PER,), jnp.float32),
            pltpu.VMEM((_PER,), jnp.float32),
            pltpu.VMEM((_PER,), jnp.float32),
            pltpu.VMEM((_PER,), jnp.float32),
            pltpu.VMEM((_PER,), jnp.float32),
            pltpu.VMEM((_PER,), jnp.float32),
            pltpu.VMEM((16,), jnp.float32),
            pltpu.VMEM((_NS * 16,), jnp.float32),
            pltpu.VMEM((_MAX_DET * 16,), jnp.float32),
            pltpu.VMEM_SHARED((2 * _NS * 16,), jnp.float32),
        ],
    )(x1, y1, x2, y2, sc)


def kernel(boxes, scores):
    pad = _PAD - _N
    x1 = jnp.pad(boxes[:, 0], (0, pad))
    y1 = jnp.pad(boxes[:, 1], (0, pad))
    x2 = jnp.pad(boxes[:, 2], (0, pad))
    y2 = jnp.pad(boxes[:, 3], (0, pad))
    sc = jnp.pad(scores, (0, pad), constant_values=-1.0)
    out = _nms(x1, y1, x2, y2, sc)
    return out.reshape(_MAX_DET, 16)[:, :5]

# --- scband reference (transcript-rebuilt; emitter-appended) ---
"""Pipeline reference for scband-standard-roiheads-85658827751896 (READ-ONLY COPY).

The authoritative reference and input builder live on the scoring server;
editing this copy changes nothing except your own understanding.
"""

import jax, jax.numpy as jnp
import numpy as np

N = 20000
MAX_DET = 100
SCORE_THRESH = 0.05
NMS_THRESH = 0.5


def setup_inputs(seed: int = 0) -> dict:
    key = jax.random.key(seed)
    k1, k2, k3 = jax.random.split(key, 3)
    # Proposal boxes in xyxy format within an ~800x800 image, like detectron2 proposals
    xy = jax.random.uniform(k1, (N, 2), minval=0.0, maxval=800.0)
    wh = jax.random.uniform(k2, (N, 2), minval=10.0, maxval=200.0)
    boxes = jnp.concatenate([xy, xy + wh], axis=1).astype(jnp.float32)
    scores = jax.random.uniform(k3, (N,), dtype=jnp.float32)
    return {"boxes": boxes, "scores": scores}


def _iou_one_vs_all(box, boxes):
    x1 = jnp.maximum(box[0], boxes[:, 0])
    y1 = jnp.maximum(box[1], boxes[:, 1])
    x2 = jnp.minimum(box[2], boxes[:, 2])
    y2 = jnp.minimum(box[3], boxes[:, 3])
    inter = jnp.maximum(x2 - x1, 0.0) * jnp.maximum(y2 - y1, 0.0)
    area1 = jnp.maximum(box[2] - box[0], 0.0) * jnp.maximum(box[3] - box[1], 0.0)
    area2 = jnp.maximum(boxes[:, 2] - boxes[:, 0], 0.0) * jnp.maximum(boxes[:, 3] - boxes[:, 1], 0.0)
    return inter / (area1 + area2 - inter + 1e-9)


def reference(boxes, scores):
    # fast_rcnn_inference core: score threshold filter + greedy NMS, keep top
    # test_detections_per_img survivors (detectron2 StandardROIHeads test path).
    live = jnp.where(scores > SCORE_THRESH, scores, -jnp.inf)

    def step(live, _):
        i = jnp.argmax(live)
        valid = live[i] > -jnp.inf
        b = boxes[i]
        sc = scores[i]
        row = jnp.where(valid, jnp.concatenate([b, sc[None]], axis=0), jnp.zeros((5,), dtype=boxes.dtype))
        ious = _iou_one_vs_all(b, boxes)
        live = jnp.where(ious > NMS_THRESH, -jnp.inf, live)
        live = live.at[i].set(-jnp.inf)
        return live, row

    _, rows = jax.lax.scan(step, live, None, length=MAX_DET)
    # rows: [MAX_DET, 5] = kept (x1, y1, x2, y2, score)
    return rows

if __name__ == "__main__":
    import jax
    _d = setup_inputs()
    print(jax.jit(kernel)(*tuple(_d.values())))

</pallas_src>

<mosaic_0001>
#map = affine_map<(d0, d1) -> (0)>
module attributes {stable_mosaic.version = 14 : i64} {
  func.func @_nms_body(%arg0: i32, %arg1: i32, %arg2: memref<20480xf32, #tpu.memory_space<hbm>>, %arg3: memref<20480xf32, #tpu.memory_space<hbm>>, %arg4: memref<20480xf32, #tpu.memory_space<hbm>>, %arg5: memref<20480xf32, #tpu.memory_space<hbm>>, %arg6: memref<20480xf32, #tpu.memory_space<hbm>>, %arg7: memref<1600xf32, #tpu.memory_space<hbm>>, %arg8: memref<1280xf32, #tpu.memory_space<vmem>>, %arg9: memref<1280xf32, #tpu.memory_space<vmem>>, %arg10: memref<1280xf32, #tpu.memory_space<vmem>>, %arg11: memref<1280xf32, #tpu.memory_space<vmem>>, %arg12: memref<1280xf32, #tpu.memory_space<vmem>>, %arg13: memref<1280xf32, #tpu.memory_space<vmem>>, %arg14: memref<16xf32, #tpu.memory_space<vmem>>, %arg15: memref<256xf32, #tpu.memory_space<vmem>>, %arg16: memref<1600xf32, #tpu.memory_space<vmem>>, %arg17: memref<512xf32, #tpu.memory_space<vmem_shared>>) attributes {dimension_semantics = [#tpu.dimension_semantics<core_parallel>, #tpu.dimension_semantics<subcore_parallel>], iteration_bounds = array<i64: 1, 16>, scalar_prefetch = 0 : i64, scratch_operands = 10 : i64, tpu.core_type = #tpu.core_type<sc_vector_subcore>, window_params = [{transform_indices = #map}, {transform_indices = #map}, {transform_indices = #map}, {transform_indices = #map}, {transform_indices = #map}, {transform_indices = #map}]} {
    %mul3A = arith.constant 1280 : i32
    %mul3A_0 = arith.muli %arg1, %mul3A : i32
    %iota3A = tpu.iota {dimensions = array<i32: 0>} : vector<16xi32>
    "tpu.region"() ({
      %run_scoped3A = tpu.sem_alloc : memref<!tpu.dma_semaphore, #tpu.memory_space<semaphore_mem>>
      %dma_start3A = tpu.memref_slice %arg2[%mul3A_0] : memref<20480xf32, #tpu.memory_space<hbm>> -> memref<1280xf32, #tpu.memory_space<hbm>>
      %dma_start3A_18 = tpu.memref_slice %arg2[%mul3A_0] : memref<20480xf32, #tpu.memory_space<hbm>> -> memref<1280xf32, #tpu.memory_space<hbm>>
      tpu.enqueue_dma source(%dma_start3A_18 : memref<1280xf32, #tpu.memory_space<hbm>>) target(%arg8 : memref<1280xf32, #tpu.memory_space<vmem>>) target_semaphore(%run_scoped3A : memref<!tpu.dma_semaphore, #tpu.memory_space<semaphore_mem>>)
      %dma_wait3A = tpu.memref_slice %arg2[%mul3A_0] : memref<20480xf32, #tpu.memory_space<hbm>> -> memref<1280xf32, #tpu.memory_space<hbm>>
      %dma_wait3A_19 = tpu.memref_slice %arg2[%mul3A_0] : memref<20480xf32, #tpu.memory_space<hbm>> -> memref<1280xf32, #tpu.memory_space<hbm>>
      tpu.wait_dma2 semaphore(%run_scoped3A : memref<!tpu.dma_semaphore, #tpu.memory_space<semaphore_mem>>) src(%dma_wait3A_19 : memref<1280xf32, #tpu.memory_space<hbm>>) dst(%arg8 : memref<1280xf32, #tpu.memory_space<vmem>>)
      tpu.yield
    }) : () -> ()
    "tpu.region"() ({
      %run_scoped3A = tpu.sem_alloc : memref<!tpu.dma_semaphore, #tpu.memory_space<semaphore_mem>>
      %dma_start3A = tpu.memref_slice %arg3[%mul3A_0] : memref<20480xf32, #tpu.memory_space<hbm>> -> memref<1280xf32, #tpu.memory_space<hbm>>
      %dma_start3A_18 = tpu.memref_slice %arg3[%mul3A_0] : memref<20480xf32, #tpu.memory_space<hbm>> -> memref<1280xf32, #tpu.memory_space<hbm>>
      tpu.enqueue_dma source(%dma_start3A_18 : memref<1280xf32, #tpu.memory_space<hbm>>) target(%arg9 : memref<1280xf32, #tpu.memory_space<vmem>>) target_semaphore(%run_scoped3A : memref<!tpu.dma_semaphore, #tpu.memory_space<semaphore_mem>>)
      %dma_wait3A = tpu.memref_slice %arg3[%mul3A_0] : memref<20480xf32, #tpu.memory_space<hbm>> -> memref<1280xf32, #tpu.memory_space<hbm>>
      %dma_wait3A_19 = tpu.memref_slice %arg3[%mul3A_0] : memref<20480xf32, #tpu.memory_space<hbm>> -> memref<1280xf32, #tpu.memory_space<hbm>>
      tpu.wait_dma2 semaphore(%run_scoped3A : memref<!tpu.dma_semaphore, #tpu.memory_space<semaphore_mem>>) src(%dma_wait3A_19 : memref<1280xf32, #tpu.memory_space<hbm>>) dst(%arg9 : memref<1280xf32, #tpu.memory_space<vmem>>)
      tpu.yield
    }) : () -> ()
    "tpu.region"() ({
      %run_scoped3A = tpu.sem_alloc : memref<!tpu.dma_semaphore, #tpu.memory_space<semaphore_mem>>
      %dma_start3A = tpu.memref_slice %arg4[%mul3A_0] : memref<20480xf32, #tpu.memory_space<hbm>> -> memref<1280xf32, #tpu.memory_space<hbm>>
      %dma_start3A_18 = tpu.memref_slice %arg4[%mul3A_0] : memref<20480xf32, #tpu.memory_space<hbm>> -> memref<1280xf32, #tpu.memory_space<hbm>>
      tpu.enqueue_dma source(%dma_start3A_18 : memref<1280xf32, #tpu.memory_space<hbm>>) target(%arg10 : memref<1280xf32, #tpu.memory_space<vmem>>) target_semaphore(%run_scoped3A : memref<!tpu.dma_semaphore, #tpu.memory_space<semaphore_mem>>)
      %dma_wait3A = tpu.memref_slice %arg4[%mul3A_0] : memref<20480xf32, #tpu.memory_space<hbm>> -> memref<1280xf32, #tpu.memory_space<hbm>>
      %dma_wait3A_19 = tpu.memref_slice %arg4[%mul3A_0] : memref<20480xf32, #tpu.memory_space<hbm>> -> memref<1280xf32, #tpu.memory_space<hbm>>
      tpu.wait_dma2 semaphore(%run_scoped3A : memref<!tpu.dma_semaphore, #tpu.memory_space<semaphore_mem>>) src(%dma_wait3A_19 : memref<1280xf32, #tpu.memory_space<hbm>>) dst(%arg10 : memref<1280xf32, #tpu.memory_space<vmem>>)
      tpu.yield
    }) : () -> ()
    "tpu.region"() ({
      %run_scoped3A = tpu.sem_alloc : memref<!tpu.dma_semaphore, #tpu.memory_space<semaphore_mem>>
      %dma_start3A = tpu.memref_slice %arg5[%mul3A_0] : memref<20480xf32, #tpu.memory_space<hbm>> -> memref<1280xf32, #tpu.memory_space<hbm>>
      %dma_start3A_18 = tpu.memref_slice %arg5[%mul3A_0] : memref<20480xf32, #tpu.memory_space<hbm>> -> memref<1280xf32, #tpu.memory_space<hbm>>
      tpu.enqueue_dma source(%dma_start3A_18 : memref<1280xf32, #tpu.memory_space<hbm>>) target(%arg11 : memref<1280xf32, #tpu.memory_space<vmem>>) target_semaphore(%run_scoped3A : memref<!tpu.dma_semaphore, #tpu.memory_space<semaphore_mem>>)
      %dma_wait3A = tpu.memref_slice %arg5[%mul3A_0] : memref<20480xf32, #tpu.memory_space<hbm>> -> memref<1280xf32, #tpu.memory_space<hbm>>
      %dma_wait3A_19 = tpu.memref_slice %arg5[%mul3A_0] : memref<20480xf32, #tpu.memory_space<hbm>> -> memref<1280xf32, #tpu.memory_space<hbm>>
      tpu.wait_dma2 semaphore(%run_scoped3A : memref<!tpu.dma_semaphore, #tpu.memory_space<semaphore_mem>>) src(%dma_wait3A_19 : memref<1280xf32, #tpu.memory_space<hbm>>) dst(%arg11 : memref<1280xf32, #tpu.memory_space<vmem>>)
      tpu.yield
    }) : () -> ()
    "tpu.region"() ({
      %run_scoped3A = tpu.sem_alloc : memref<!tpu.dma_semaphore, #tpu.memory_space<semaphore_mem>>
      %dma_start3A = tpu.memref_slice %arg6[%mul3A_0] : memref<20480xf32, #tpu.memory_space<hbm>> -> memref<1280xf32, #tpu.memory_space<hbm>>
      %dma_start3A_18 = tpu.memref_slice %arg6[%mul3A_0] : memref<20480xf32, #tpu.memory_space<hbm>> -> memref<1280xf32, #tpu.memory_space<hbm>>
      tpu.enqueue_dma source(%dma_start3A_18 : memref<1280xf32, #tpu.memory_space<hbm>>) target(%arg13 : memref<1280xf32, #tpu.memory_space<vmem>>) target_semaphore(%run_scoped3A : memref<!tpu.dma_semaphore, #tpu.memory_space<semaphore_mem>>)
      %dma_wait3A = tpu.memref_slice %arg6[%mul3A_0] : memref<20480xf32, #tpu.memory_space<hbm>> -> memref<1280xf32, #tpu.memory_space<hbm>>
      %dma_wait3A_19 = tpu.memref_slice %arg6[%mul3A_0] : memref<20480xf32, #tpu.memory_space<hbm>> -> memref<1280xf32, #tpu.memory_space<hbm>>
      tpu.wait_dma2 semaphore(%run_scoped3A : memref<!tpu.dma_semaphore, #tpu.memory_space<semaphore_mem>>) src(%dma_wait3A_19 : memref<1280xf32, #tpu.memory_space<hbm>>) dst(%arg13 : memref<1280xf32, #tpu.memory_space<vmem>>)
      tpu.yield
    }) : () -> ()
    %broadcast_in_dim3A = arith.constant 0xFF800000 : f32
    %broadcast_in_dim3A_1 = vector.broadcast %broadcast_in_dim3A : f32 to vector<16xf32>
    %broadcast_in_dim3A_2 = arith.constant 0 : i32
    %broadcast_in_dim3A_3 = vector.broadcast %broadcast_in_dim3A_2 : i32 to vector<16xi32>
    %add3A = vector.broadcast %mul3A_0 : i32 to vector<16xi32>
    %add3A_4 = arith.addi %add3A, %iota3A : vector<16xi32>
    %scan3A = arith.constant 0 : i32
    %scan3A_5 = arith.constant 80 : i32
    %scan3A_6 = arith.addi %scan3A, %scan3A_5 : i32
    %scan3A_7 = arith.constant 1 : i32
    %scan3A_8:2 = scf.for %scan3A_18 = %scan3A to %scan3A_6 step %scan3A_7 iter_args(%scan3A_19 = %broadcast_in_dim3A_1, %scan3A_20 = %broadcast_in_dim3A_3) -> (vector<16xf32>, vector<16xi32>)  : i32 {
      %mul3A_21 = arith.constant 16 : i32
      %mul3A_22 = arith.muli %scan3A_18, %mul3A_21 : i32
      %get3A = arith.index_cast %mul3A_22 : i32 to index
      %get3A_23 = tpu.vector_load %arg8[%get3A] {strides = array<i32>} : memref<1280xf32, #tpu.memory_space<vmem>>, vector<16xf32>,
      %get3A_24 = arith.index_cast %mul3A_22 : i32 to index
      %get3A_25 = tpu.vector_load %arg9[%get3A_24] {strides = array<i32>} : memref<1280xf32, #tpu.memory_space<vmem>>, vector<16xf32>,
      %get3A_26 = arith.index_cast %mul3A_22 : i32 to index
      %get3A_27 = tpu.vector_load %arg10[%get3A_26] {strides = array<i32>} : memref<1280xf32, #tpu.memory_space<vmem>>, vector<16xf32>,
      %get3A_28 = arith.index_cast %mul3A_22 : i32 to index
      %get3A_29 = tpu.vector_load %arg11[%get3A_28] {strides = array<i32>} : memref<1280xf32, #tpu.memory_space<vmem>>, vector<16xf32>,
      %sub3A = arith.subf %get3A_27, %get3A_23 : vector<16xf32>
      %max3A = arith.constant 0.000000e+00 : f32
      %max3A_30 = vector.broadcast %max3A : f32 to vector<16xf32>
      %max3A_31 = arith.maximumf %sub3A, %max3A_30 : vector<16xf32>
      %sub3A_32 = arith.subf %get3A_29, %get3A_25 : vector<16xf32>
      %max3A_33 = arith.constant 0.000000e+00 : f32
      %max3A_34 = vector.broadcast %max3A_33 : f32 to vector<16xf32>
      %max3A_35 = arith.maximumf %sub3A_32, %max3A_34 : vector<16xf32>
      %mul3A_36 = arith.mulf %max3A_31, %max3A_35 : vector<16xf32>
      %swap3A = arith.index_cast %mul3A_22 : i32 to index
      %swap3A_37 = tpu.vector_load %arg12[%swap3A] {strides = array<i32>} : memref<1280xf32, #tpu.memory_space<vmem>>, vector<16xf32>,
      tpu.vector_store %arg12[%swap3A], %mul3A_36 {strides = array<i32>} : memref<1280xf32, #tpu.memory_space<vmem>>, vector<16xf32>,
      %get3A_38 = arith.index_cast %mul3A_22 : i32 to index
      %get3A_39 = tpu.vector_load %arg13[%get3A_38] {strides = array<i32>} : memref<1280xf32, #tpu.memory_space<vmem>>, vector<16xf32>,
      %gt3A = arith.constant 5.000000e-02 : f32
      %gt3A_40 = vector.broadcast %gt3A : f32 to vector<16xf32>
      %gt3A_41 = arith.cmpf ogt, %get3A_39, %gt3A_40 : vector<16xf32>
      %jit3A = arith.constant 0xFF800000 : f32
      %broadcast_in_dim3A_42 = vector.broadcast %jit3A : f32 to vector<16xf32>
      %select_n3A = arith.select %gt3A_41, %get3A_39, %broadcast_in_dim3A_42 : vector<16xi1>, vector<16xf32>
      %swap3A_43 = arith.index_cast %mul3A_22 : i32 to index
      %swap3A_44 = tpu.vector_load %arg13[%swap3A_43] {strides = array<i32>} : memref<1280xf32, #tpu.memory_space<vmem>>, vector<16xf32>,
      tpu.vector_store %arg13[%swap3A_43], %select_n3A {strides = array<i32>} : memref<1280xf32, #tpu.memory_space<vmem>>, vector<16xf32>,
      %gt3A_45 = arith.cmpf ogt, %select_n3A, %scan3A_19 : vector<16xf32>
      %select_n3A_46 = arith.select %gt3A_45, %select_n3A, %scan3A_19 : vector<16xi1>, vector<16xf32>
      %broadcast_in_dim3A_47 = vector.broadcast %scan3A_18 : i32 to vector<16xi32>
      %select_n3A_48 = arith.select %gt3A_45, %broadcast_in_dim3A_47, %scan3A_20 : vector<16xi1>, vector<16xi32>
      scf.yield %select_n3A_46, %select_n3A_48 : vector<16xf32>, vector<16xi32>
    }
    %scan3A_9 = arith.constant 80 : i32
    %scan3A_10 = arith.constant 0 : i32
    %scan3A_11 = arith.constant 100 : i32
    %scan3A_12 = arith.addi %scan3A_10, %scan3A_11 : i32
    %scan3A_13 = arith.constant 1 : i32
    %scan3A_14:2 = scf.for %scan3A_18 = %scan3A_10 to %scan3A_12 step %scan3A_13 iter_args(%scan3A_19 = %scan3A_8#0, %scan3A_20 = %scan3A_8#1) -> (vector<16xf32>, vector<16xi32>)  : i32 {
      %mul3A_21 = arith.constant 16 : i32
      %mul3A_22 = vector.broadcast %mul3A_21 : i32 to vector<16xi32>
      %mul3A_23 = arith.muli %scan3A_20, %mul3A_22 : vector<16xi32>
      %add3A_24 = arith.addi %add3A_4, %mul3A_23 : vector<16xi32>
      %reduce_max3A = arith.constant true
      %reduce_max3A_25 = vector.broadcast %reduce_max3A : i1 to vector<16xi1>
      %reduce_max3A_26 = tpu.scan <max>, %scan3A_19 masked %reduce_max3A_25 : vector<16xf32>, vector<16xi1> -> vector<16xf32>
      %reduce_max3A_27 = vector.extract %reduce_max3A_26[15] : f32 from vector<16xf32>
      %eq3A_28 = vector.broadcast %reduce_max3A_27 : f32 to vector<16xf32>
      %eq3A_29 = arith.cmpf oeq, %scan3A_19, %eq3A_28 : vector<16xf32>
      %jit3A = arith.constant 2147483647 : i32
      %broadcast_in_dim3A_30 = vector.broadcast %jit3A : i32 to vector<16xi32>
      %select_n3A = arith.select %eq3A_29, %add3A_24, %broadcast_in_dim3A_30 : vector<16xi1>, vector<16xi32>
      %reduce_min3A = arith.constant true
      %reduce_min3A_31 = vector.broadcast %reduce_min3A : i1 to vector<16xi1>
      %reduce_min3A_32 = arith.constant -2147483648 : i32
      %reduce_min3A_33 = vector.broadcast %reduce_min3A_32 : i32 to vector<16xi32>
      %reduce_min3A_34 = arith.xori %select_n3A, %reduce_min3A_33 : vector<16xi32>
      %reduce_min3A_35 = tpu.scan <min>, %reduce_min3A_34 masked %reduce_min3A_31 : vector<16xi32>, vector<16xi1> -> vector<16xi32>
      %reduce_min3A_36 = arith.xori %reduce_min3A_35, %reduce_min3A_33 : vector<16xi32>
      %reduce_min3A_37 = vector.extract %reduce_min3A_36[15] : i32 from vector<16xi32>
      %sub3A = arith.subi %reduce_min3A_37, %mul3A_0 : i32
      %broadcast_in_dim3A_38 = vector.broadcast %sub3A : i32 to vector<16xi32>
      %gather3A = tpu.vector_load_idx %arg8[%broadcast_in_dim3A_38] : memref<1280xf32, #tpu.memory_space<vmem>>[vector<16xi32>], vector<16xf32>,
      %gather3A_39 = tpu.vector_load_idx %arg9[%broadcast_in_dim3A_38] : memref<1280xf32, #tpu.memory_space<vmem>>[vector<16xi32>], vector<16xf32>,
      %gather3A_40 = tpu.vector_load_idx %arg10[%broadcast_in_dim3A_38] : memref<1280xf32, #tpu.memory_space<vmem>>[vector<16xi32>], vector<16xf32>,
      %gather3A_41 = tpu.vector_load_idx %arg11[%broadcast_in_dim3A_38] : memref<1280xf32, #tpu.memory_space<vmem>>[vector<16xi32>], vector<16xf32>,
      %broadcast_in_dim3A_42 = vector.broadcast %reduce_min3A_37 : i32 to vector<16xi32>
      %convert_element_type3A_43 = arith.sitofp %broadcast_in_dim3A_42 : vector<16xi32> to vector<16xf32>
      %eq3A_44 = arith.constant 0 : i32
      %eq3A_45 = vector.broadcast %eq3A_44 : i32 to vector<16xi32>
      %eq3A_46 = arith.cmpi eq, %iota3A, %eq3A_45 : vector<16xi32>
      %broadcast_in_dim3A_47 = vector.broadcast %reduce_max3A_27 : f32 to vector<16xf32>
      %eq3A_48 = arith.constant 1 : i32
      %eq3A_49 = vector.broadcast %eq3A_48 : i32 to vector<16xi32>
      %eq3A_50 = arith.cmpi eq, %iota3A, %eq3A_49 : vector<16xi32>
      %eq3A_51 = arith.constant 2 : i32
      %eq3A_52 = vector.broadcast %eq3A_51 : i32 to vector<16xi32>
      %eq3A_53 = arith.cmpi eq, %iota3A, %eq3A_52 : vector<16xi32>
      %eq3A_54 = arith.constant 3 : i32
      %eq3A_55 = vector.broadcast %eq3A_54 : i32 to vector<16xi32>
      %eq3A_56 = arith.cmpi eq, %iota3A, %eq3A_55 : vector<16xi32>
      %eq3A_57 = arith.constant 4 : i32
      %eq3A_58 = vector.broadcast %eq3A_57 : i32 to vector<16xi32>
      %eq3A_59 = arith.cmpi eq, %iota3A, %eq3A_58 : vector<16xi32>
      %eq3A_60 = arith.constant 5 : i32
      %eq3A_61 = vector.broadcast %eq3A_60 : i32 to vector<16xi32>
      %eq3A_62 = arith.cmpi eq, %iota3A, %eq3A_61 : vector<16xi32>
      %jit3A_63 = arith.constant 0.000000e+00 : f32
      %broadcast_in_dim3A_64 = vector.broadcast %jit3A_63 : f32 to vector<16xf32>
      %select_n3A_65 = arith.select %eq3A_62, %convert_element_type3A_43, %broadcast_in_dim3A_64 : vector<16xi1>, vector<16xf32>
      %select_n3A_66 = arith.select %eq3A_59, %gather3A_41, %select_n3A_65 : vector<16xi1>, vector<16xf32>
      %select_n3A_67 = arith.select %eq3A_56, %gather3A_40, %select_n3A_66 : vector<16xi1>, vector<16xf32>
      %select_n3A_68 = arith.select %eq3A_53, %gather3A_39, %select_n3A_67 : vector<16xi1>, vector<16xf32>
      %select_n3A_69 = arith.select %eq3A_50, %gather3A, %select_n3A_68 : vector<16xi1>, vector<16xf32>
      %select_n3A_70 = arith.select %eq3A_46, %broadcast_in_dim3A_47, %select_n3A_69 : vector<16xi1>, vector<16xf32>
      %rem3A = arith.constant 2 : i32
      %rem3A_71 = arith.remsi %scan3A_18, %rem3A : i32
      %mul3A_72 = arith.constant 256 : i32
      %mul3A_73 = arith.muli %rem3A_71, %mul3A_72 : i32
      %swap3A = arith.constant 0 : index
      %swap3A_74 = tpu.vector_load %arg14[%swap3A] {strides = array<i32>} : memref<16xf32, #tpu.memory_space<vmem>>, vector<16xf32>,
      tpu.vector_store %arg14[%swap3A], %select_n3A_70 {strides = array<i32>} : memref<16xf32, #tpu.memory_space<vmem>>, vector<16xf32>,
      %mul3A_75 = arith.constant 16 : i32
      %mul3A_76 = arith.muli %arg1, %mul3A_75 : i32
      %add3A_77 = arith.addi %mul3A_73, %mul3A_76 : i32
      "tpu.region"() ({
        %run_scoped3A = tpu.sem_alloc : memref<!tpu.dma_semaphore, #tpu.memory_space<semaphore_mem>>
        %dma_start3A = tpu.memref_slice %arg17[%add3A_77] : memref<512xf32, #tpu.memory_space<vmem_shared>> -> memref<16xf32, #tpu.memory_space<vmem_shared>>
        %dma_start3A_514 = tpu.memref_slice %arg17[%add3A_77] : memref<512xf32, #tpu.memory_space<vmem_shared>> -> memref<16xf32, #tpu.memory_space<vmem_shared>>
        tpu.enqueue_dma source(%arg14 : memref<16xf32, #tpu.memory_space<vmem>>) target(%dma_start3A_514 : memref<16xf32, #tpu.memory_space<vmem_shared>>) target_semaphore(%run_scoped3A : memref<!tpu.dma_semaphore, #tpu.memory_space<semaphore_mem>>)
        %dma_wait3A = tpu.memref_slice %arg17[%add3A_77] : memref<512xf32, #tpu.memory_space<vmem_shared>> -> memref<16xf32, #tpu.memory_space<vmem_shared>>
        %dma_wait3A_515 = tpu.memref_slice %arg17[%add3A_77] : memref<512xf32, #tpu.memory_space<vmem_shared>> -> memref<16xf32, #tpu.memory_space<vmem_shared>>
        tpu.wait_dma2 semaphore(%run_scoped3A : memref<!tpu.dma_semaphore, #tpu.memory_space<semaphore_mem>>) src(%arg14 : memref<16xf32, #tpu.memory_space<vmem>>) dst(%dma_wait3A_515 : memref<16xf32, #tpu.memory_space<vmem_shared>>)
        tpu.yield
      }) : () -> ()
      %barrier3A = arith.constant 0 : index
      tpu.barrier barrier_id(%barrier3A)
      "tpu.region"() ({
        %run_scoped3A = tpu.sem_alloc : memref<!tpu.dma_semaphore, #tpu.memory_space<semaphore_mem>>
        %dma_start3A = tpu.memref_slice %arg17[%mul3A_73] : memref<512xf32, #tpu.memory_space<vmem_shared>> -> memref<256xf32, #tpu.memory_space<vmem_shared>>
        %dma_start3A_514 = tpu.memref_slice %arg17[%mul3A_73] : memref<512xf32, #tpu.memory_space<vmem_shared>> -> memref<256xf32, #tpu.memory_space<vmem_shared>>
        tpu.enqueue_dma source(%dma_start3A_514 : memref<256xf32, #tpu.memory_space<vmem_shared>>) target(%arg15 : memref<256xf32, #tpu.memory_space<vmem>>) target_semaphore(%run_scoped3A : memref<!tpu.dma_semaphore, #tpu.memory_space<semaphore_mem>>)
        %dma_wait3A = tpu.memref_slice %arg17[%mul3A_73] : memref<512xf32, #tpu.memory_space<vmem_shared>> -> memref<256xf32, #tpu.memory_space<vmem_shared>>
        %dma_wait3A_515 = tpu.memref_slice %arg17[%mul3A_73] : memref<512xf32, #tpu.memory_space<vmem_shared>> -> memref<256xf32, #tpu.memory_space<vmem_shared>>
        tpu.wait_dma2 semaphore(%run_scoped3A : memref<!tpu.dma_semaphore, #tpu.memory_space<semaphore_mem>>) src(%dma_wait3A_515 : memref<256xf32, #tpu.memory_space<vmem_shared>>) dst(%arg15 : memref<256xf32, #tpu.memory_space<vmem>>)
        tpu.yield
      }) : () -> ()
      %eq3A_78 = arith.constant 0 : i32
      %eq3A_79 = vector.broadcast %eq3A_78 : i32 to vector<16xi32>
      %eq3A_80 = arith.cmpi eq, %iota3A, %eq3A_79 : vector<16xi32>
      %eq3A_81 = arith.constant 5 : i32
      %eq3A_82 = vector.broadcast %eq3A_81 : i32 to vector<16xi32>
      %eq3A_83 = arith.cmpi eq, %iota3A, %eq3A_82 : vector<16xi32>
      %get3A = arith.constant 0 : index
      %get3A_84 = tpu.vector_load %arg15[%get3A] {strides = array<i32>} : memref<256xf32, #tpu.memory_space<vmem>>, vector<16xf32>,
      %jit3A_85 = arith.constant 0xFF800000 : f32
      %broadcast_in_dim3A_86 = vector.broadcast %jit3A_85 : f32 to vector<16xf32>
      %select_n3A_87 = arith.select %eq3A_80, %get3A_84, %broadcast_in_dim3A_86 : vector<16xi1>, vector<16xf32>
      %reduce_max3A_88 = arith.constant true
      %reduce_max3A_89 = vector.broadcast %reduce_max3A_88 : i1 to vector<16xi1>
      %reduce_max3A_90 = tpu.scan <max>, %select_n3A_87 masked %reduce_max3A_89 : vector<16xf32>, vector<16xi1> -> vector<16xf32>
      %reduce_max3A_91 = vector.extract %reduce_max3A_90[15] : f32 from vector<16xf32>
      %jit3A_92 = arith.constant -1.000000e+00 : f32
      %broadcast_in_dim3A_93 = vector.broadcast %jit3A_92 : f32 to vector<16xf32>
      %select_n3A_94 = arith.select %eq3A_83, %get3A_84, %broadcast_in_dim3A_93 : vector<16xi1>, vector<16xf32>
      %reduce_max3A_95 = arith.constant true
      %reduce_max3A_96 = vector.broadcast %reduce_max3A_95 : i1 to vector<16xi1>
      %reduce_max3A_97 = tpu.scan <max>, %select_n3A_94 masked %reduce_max3A_96 : vector<16xf32>, vector<16xi1> -> vector<16xf32>
      %reduce_max3A_98 = vector.extract %reduce_max3A_97[15] : f32 from vector<16xf32>
      %get3A_99 = arith.constant 16 : index
      %get3A_100 = tpu.vector_load %arg15[%get3A_99] {strides = array<i32>} : memref<256xf32, #tpu.memory_space<vmem>>, vector<16xf32>,
      %jit3A_101 = arith.constant 0xFF800000 : f32
      %broadcast_in_dim3A_102 = vector.broadcast %jit3A_101 : f32 to vector<16xf32>
      %select_n3A_103 = arith.select %eq3A_80, %get3A_100, %broadcast_in_dim3A_102 : vector<16xi1>, vector<16xf32>
      %reduce_max3A_104 = arith.constant true
      %reduce_max3A_105 = vector.broadcast %reduce_max3A_104 : i1 to vector<16xi1>
      %reduce_max3A_106 = tpu.scan <max>, %select_n3A_103 masked %reduce_max3A_105 : vector<16xf32>, vector<16xi1> -> vector<16xf32>
      %reduce_max3A_107 = vector.extract %reduce_max3A_106[15] : f32 from vector<16xf32>
      %jit3A_108 = arith.constant -1.000000e+00 : f32
      %broadcast_in_dim3A_109 = vector.broadcast %jit3A_108 : f32 to vector<16xf32>
      %select_n3A_110 = arith.select %eq3A_83, %get3A_100, %broadcast_in_dim3A_109 : vector<16xi1>, vector<16xf32>
      %reduce_max3A_111 = arith.constant true
      %reduce_max3A_112 = vector.broadcast %reduce_max3A_111 : i1 to vector<16xi1>
      %reduce_max3A_113 = tpu.scan <max>, %select_n3A_110 masked %reduce_max3A_112 : vector<16xf32>, vector<16xi1> -> vector<16xf32>
      %reduce_max3A_114 = vector.extract %reduce_max3A_113[15] : f32 from vector<16xf32>
      %get3A_115 = arith.constant 32 : index
      %get3A_116 = tpu.vector_load %arg15[%get3A_115] {strides = array<i32>} : memref<256xf32, #tpu.memory_space<vmem>>, vector<16xf32>,
      %jit3A_117 = arith.constant 0xFF800000 : f32
      %broadcast_in_dim3A_118 = vector.broadcast %jit3A_117 : f32 to vector<16xf32>
      %select_n3A_119 = arith.select %eq3A_80, %get3A_116, %broadcast_in_dim3A_118 : vector<16xi1>, vector<16xf32>
      %reduce_max3A_120 = arith.constant true
      %reduce_max3A_121 = vector.broadcast %reduce_max3A_120 : i1 to vector<16xi1>
      %reduce_max3A_122 = tpu.scan <max>, %select_n3A_119 masked %reduce_max3A_121 : vector<16xf32>, vector<16xi1> -> vector<16xf32>
      %reduce_max3A_123 = vector.extract %reduce_max3A_122[15] : f32 from vector<16xf32>
      %jit3A_124 = arith.constant -1.000000e+00 : f32
      %broadcast_in_dim3A_125 = vector.broadcast %jit3A_124 : f32 to vector<16xf32>
      %select_n3A_126 = arith.select %eq3A_83, %get3A_116, %broadcast_in_dim3A_125 : vector<16xi1>, vector<16xf32>
      %reduce_max3A_127 = arith.constant true
      %reduce_max3A_128 = vector.broadcast %reduce_max3A_127 : i1 to vector<16xi1>
      %reduce_max3A_129 = tpu.scan <max>, %select_n3A_126 masked %reduce_max3A_128 : vector<16xf32>, vector<16xi1> -> vector<16xf32>
      %reduce_max3A_130 = vector.extract %reduce_max3A_129[15] : f32 from vector<16xf32>
      %get3A_131 = arith.constant 48 : index
      %get3A_132 = tpu.vector_load %arg15[%get3A_131] {strides = array<i32>} : memref<256xf32, #tpu.memory_space<vmem>>, vector<16xf32>,
      %jit3A_133 = arith.constant 0xFF800000 : f32
      %broadcast_in_dim3A_134 = vector.broadcast %jit3A_133 : f32 to vector<16xf32>
      %select_n3A_135 = arith.select %eq3A_80, %get3A_132, %broadcast_in_dim3A_134 : vector<16xi1>, vector<16xf32>
      %reduce_max3A_136 = arith.constant true
      %reduce_max3A_137 = vector.broadcast %reduce_max3A_136 : i1 to vector<16xi1>
      %reduce_max3A_138 = tpu.scan <max>, %select_n3A_135 masked %reduce_max3A_137 : vector<16xf32>, vector<16xi1> -> vector<16xf32>
      %reduce_max3A_139 = vector.extract %reduce_max3A_138[15] : f32 from vector<16xf32>
      %jit3A_140 = arith.constant -1.000000e+00 : f32
      %broadcast_in_dim3A_141 = vector.broadcast %jit3A_140 : f32 to vector<16xf32>
      %select_n3A_142 = arith.select %eq3A_83, %get3A_132, %broadcast_in_dim3A_141 : vector<16xi1>, vector<16xf32>
      %reduce_max3A_143 = arith.constant true
      %reduce_max3A_144 = vector.broadcast %reduce_max3A_143 : i1 to vector<16xi1>
      %reduce_max3A_145 = tpu.scan <max>, %select_n3A_142 masked %reduce_max3A_144 : vector<16xf32>, vector<16xi1> -> vector<16xf32>
      %reduce_max3A_146 = vector.extract %reduce_max3A_145[15] : f32 from vector<16xf32>
      %get3A_147 = arith.constant 64 : index
      %get3A_148 = tpu.vector_load %arg15[%get3A_147] {strides = array<i32>} : memref<256xf32, #tpu.memory_space<vmem>>, vector<16xf32>,
      %jit3A_149 = arith.constant 0xFF800000 : f32
      %broadcast_in_dim3A_150 = vector.broadcast %jit3A_149 : f32 to vector<16xf32>
      %select_n3A_151 = arith.select %eq3A_80, %get3A_148, %broadcast_in_dim3A_150 : vector<16xi1>, vector<16xf32>
      %reduce_max3A_152 = arith.constant true
      %reduce_max3A_153 = vector.broadcast %reduce_max3A_152 : i1 to vector<16xi1>
      %reduce_max3A_154 = tpu.scan <max>, %select_n3A_151 masked %reduce_max3A_153 : vector<16xf32>, vector<16xi1> -> vector<16xf32>
      %reduce_max3A_155 = vector.extract %reduce_max3A_154[15] : f32 from vector<16xf32>
      %jit3A_156 = arith.constant -1.000000e+00 : f32
      %broadcast_in_dim3A_157 = vector.broadcast %jit3A_156 : f32 to vector<16xf32>
      %select_n3A_158 = arith.select %eq3A_83, %get3A_148, %broadcast_in_dim3A_157 : vector<16xi1>, vector<16xf32>
      %reduce_max3A_159 = arith.constant true
      %reduce_max3A_160 = vector.broadcast %reduce_max3A_159 : i1 to vector<16xi1>
      %reduce_max3A_161 = tpu.scan <max>, %select_n3A_158 masked %reduce_max3A_160 : vector<16xf32>, vector<16xi1> -> vector<16xf32>
      %reduce_max3A_162 = vector.extract %reduce_max3A_161[15] : f32 from vector<16xf32>
      %get3A_163 = arith.constant 80 : index
      %get3A_164 = tpu.vector_load %arg15[%get3A_163] {strides = array<i32>} : memref<256xf32, #tpu.memory_space<vmem>>, vector<16xf32>,
      %jit3A_165 = arith.constant 0xFF800000 : f32
      %broadcast_in_dim3A_166 = vector.broadcast %jit3A_165 : f32 to vector<16xf32>
      %select_n3A_167 = arith.select %eq3A_80, %get3A_164, %broadcast_in_dim3A_166 : vector<16xi1>, vector<16xf32>
      %reduce_max3A_168 = arith.constant true
      %reduce_max3A_169 = vector.broadcast %reduce_max3A_168 : i1 to vector<16xi1>
      %reduce_max3A_170 = tpu.scan <max>, %select_n3A_167 masked %reduce_max3A_169 : vector<16xf32>, vector<16xi1> -> vector<16xf32>
      %reduce_max3A_171 = vector.extract %reduce_max3A_170[15] : f32 from vector<16xf32>
      %jit3A_172 = arith.constant -1.000000e+00 : f32
      %broadcast_in_dim3A_173 = vector.broadcast %jit3A_172 : f32 to vector<16xf32>
      %select_n3A_174 = arith.select %eq3A_83, %get3A_164, %broadcast_in_dim3A_173 : vector<16xi1>, vector<16xf32>
      %reduce_max3A_175 = arith.constant true
      %reduce_max3A_176 = vector.broadcast %reduce_max3A_175 : i1 to vector<16xi1>
      %reduce_max3A_177 = tpu.scan <max>, %select_n3A_174 masked %reduce_max3A_176 : vector<16xf32>, vector<16xi1> -> vector<16xf32>
      %reduce_max3A_178 = vector.extract %reduce_max3A_177[15] : f32 from vector<16xf32>
      %get3A_179 = arith.constant 96 : index
      %get3A_180 = tpu.vector_load %arg15[%get3A_179] {strides = array<i32>} : memref<256xf32, #tpu.memory_space<vmem>>, vector<16xf32>,
      %jit3A_181 = arith.constant 0xFF800000 : f32
      %broadcast_in_dim3A_182 = vector.broadcast %jit3A_181 : f32 to vector<16xf32>
      %select_n3A_183 = arith.select %eq3A_80, %get3A_180, %broadcast_in_dim3A_182 : vector<16xi1>, vector<16xf32>
      %reduce_max3A_184 = arith.constant true
      %reduce_max3A_185 = vector.broadcast %reduce_max3A_184 : i1 to vector<16xi1>
      %reduce_max3A_186 = tpu.scan <max>, %select_n3A_183 masked %reduce_max3A_185 : vector<16xf32>, vector<16xi1> -> vector<16xf32>
      %reduce_max3A_187 = vector.extract %reduce_max3A_186[15] : f32 from vector<16xf32>
      %jit3A_188 = arith.constant -1.000000e+00 : f32
      %broadcast_in_dim3A_189 = vector.broadcast %jit3A_188 : f32 to vector<16xf32>
      %select_n3A_190 = arith.select %eq3A_83, %get3A_180, %broadcast_in_dim3A_189 : vector<16xi1>, vector<16xf32>
      %reduce_max3A_191 = arith.constant true
      %reduce_max3A_192 = vector.broadcast %reduce_max3A_191 : i1 to vector<16xi1>
      %reduce_max3A_193 = tpu.scan <max>, %select_n3A_190 masked %reduce_max3A_192 : vector<16xf32>, vector<16xi1> -> vector<16xf32>
      %reduce_max3A_194 = vector.extract %reduce_max3A_193[15] : f32 from vector<16xf32>
      %get3A_195 = arith.constant 112 : index
      %get3A_196 = tpu.vector_load %arg15[%get3A_195] {strides = array<i32>} : memref<256xf32, #tpu.memory_space<vmem>>, vector<16xf32>,
      %jit3A_197 = arith.constant 0xFF800000 : f32
      %broadcast_in_dim3A_198 = vector.broadcast %jit3A_197 : f32 to vector<16xf32>
      %select_n3A_199 = arith.select %eq3A_80, %get3A_196, %broadcast_in_dim3A_198 : vector<16xi1>, vector<16xf32>
      %reduce_max3A_200 = arith.constant true
      %reduce_max3A_201 = vector.broadcast %reduce_max3A_200 : i1 to vector<16xi1>
      %reduce_max3A_202 = tpu.scan <max>, %select_n3A_199 masked %reduce_max3A_201 : vector<16xf32>, vector<16xi1> -> vector<16xf32>
      %reduce_max3A_203 = vector.extract %reduce_max3A_202[15] : f32 from vector<16xf32>
      %jit3A_204 = arith.constant -1.000000e+00 : f32
      %broadcast_in_dim3A_205 = vector.broadcast %jit3A_204 : f32 to vector<16xf32>
      %select_n3A_206 = arith.select %eq3A_83, %get3A_196, %broadcast_in_dim3A_205 : vector<16xi1>, vector<16xf32>
      %reduce_max3A_207 = arith.constant true
      %reduce_max3A_208 = vector.broadcast %reduce_max3A_207 : i1 to vector<16xi1>
      %reduce_max3A_209 = tpu.scan <max>, %select_n3A_206 masked %reduce_max3A_208 : vector<16xf32>, vector<16xi1> -> vector<16xf32>
      %reduce_max3A_210 = vector.extract %reduce_max3A_209[15] : f32 from vector<16xf32>
      %get3A_211 = arith.constant 128 : index
      %get3A_212 = tpu.vector_load %arg15[%get3A_211] {strides = array<i32>} : memref<256xf32, #tpu.memory_space<vmem>>, vector<16xf32>,
      %jit3A_213 = arith.constant 0xFF800000 : f32
      %broadcast_in_dim3A_214 = vector.broadcast %jit3A_213 : f32 to vector<16xf32>
      %select_n3A_215 = arith.select %eq3A_80, %get3A_212, %broadcast_in_dim3A_214 : vector<16xi1>, vector<16xf32>
      %reduce_max3A_216 = arith.constant true
      %reduce_max3A_217 = vector.broadcast %reduce_max3A_216 : i1 to vector<16xi1>
      %reduce_max3A_218 = tpu.scan <max>, %select_n3A_215 masked %reduce_max3A_217 : vector<16xf32>, vector<16xi1> -> vector<16xf32>
      %reduce_max3A_219 = vector.extract %reduce_max3A_218[15] : f32 from vector<16xf32>
      %jit3A_220 = arith.constant -1.000000e+00 : f32
      %broadcast_in_dim3A_221 = vector.broadcast %jit3A_220 : f32 to vector<16xf32>
      %select_n3A_222 = arith.select %eq3A_83, %get3A_212, %broadcast_in_dim3A_221 : vector<16xi1>, vector<16xf32>
      %reduce_max3A_223 = arith.constant true
      %reduce_max3A_224 = vector.broadcast %reduce_max3A_223 : i1 to vector<16xi1>
      %reduce_max3A_225 = tpu.scan <max>, %select_n3A_222 masked %reduce_max3A_224 : vector<16xf32>, vector<16xi1> -> vector<16xf32>
      %reduce_max3A_226 = vector.extract %reduce_max3A_225[15] : f32 from vector<16xf32>
      %get3A_227 = arith.constant 144 : index
      %get3A_228 = tpu.vector_load %arg15[%get3A_227] {strides = array<i32>} : memref<256xf32, #tpu.memory_space<vmem>>, vector<16xf32>,
      %jit3A_229 = arith.constant 0xFF800000 : f32
      %broadcast_in_dim3A_230 = vector.broadcast %jit3A_229 : f32 to vector<16xf32>
      %select_n3A_231 = arith.select %eq3A_80, %get3A_228, %broadcast_in_dim3A_230 : vector<16xi1>, vector<16xf32>
      %reduce_max3A_232 = arith.constant true
      %reduce_max3A_233 = vector.broadcast %reduce_max3A_232 : i1 to vector<16xi1>
      %reduce_max3A_234 = tpu.scan <max>, %select_n3A_231 masked %reduce_max3A_233 : vector<16xf32>, vector<16xi1> -> vector<16xf32>
      %reduce_max3A_235 = vector.extract %reduce_max3A_234[15] : f32 from vector<16xf32>
      %jit3A_236 = arith.constant -1.000000e+00 : f32
      %broadcast_in_dim3A_237 = vector.broadcast %jit3A_236 : f32 to vector<16xf32>
      %select_n3A_238 = arith.select %eq3A_83, %get3A_228, %broadcast_in_dim3A_237 : vector<16xi1>, vector<16xf32>
      %reduce_max3A_239 = arith.constant true
      %reduce_max3A_240 = vector.broadcast %reduce_max3A_239 : i1 to vector<16xi1>
      %reduce_max3A_241 = tpu.scan <max>, %select_n3A_238 masked %reduce_max3A_240 : vector<16xf32>, vector<16xi1> -> vector<16xf32>
      %reduce_max3A_242 = vector.extract %reduce_max3A_241[15] : f32 from vector<16xf32>
      %get3A_243 = arith.constant 160 : index
      %get3A_244 = tpu.vector_load %arg15[%get3A_243] {strides = array<i32>} : memref<256xf32, #tpu.memory_space<vmem>>, vector<16xf32>,
      %jit3A_245 = arith.constant 0xFF800000 : f32
      %broadcast_in_dim3A_246 = vector.broadcast %jit3A_245 : f32 to vector<16xf32>
      %select_n3A_247 = arith.select %eq3A_80, %get3A_244, %broadcast_in_dim3A_246 : vector<16xi1>, vector<16xf32>
      %reduce_max3A_248 = arith.constant true
      %reduce_max3A_249 = vector.broadcast %reduce_max3A_248 : i1 to vector<16xi1>
      %reduce_max3A_250 = tpu.scan <max>, %select_n3A_247 masked %reduce_max3A_249 : vector<16xf32>, vector<16xi1> -> vector<16xf32>
      %reduce_max3A_251 = vector.extract %reduce_max3A_250[15] : f32 from vector<16xf32>
      %jit3A_252 = arith.constant -1.000000e+00 : f32
      %broadcast_in_dim3A_253 = vector.broadcast %jit3A_252 : f32 to vector<16xf32>
      %select_n3A_254 = arith.select %eq3A_83, %get3A_244, %broadcast_in_dim3A_253 : vector<16xi1>, vector<16xf32>
      %reduce_max3A_255 = arith.constant true
      %reduce_max3A_256 = vector.broadcast %reduce_max3A_255 : i1 to vector<16xi1>
      %reduce_max3A_257 = tpu.scan <max>, %select_n3A_254 masked %reduce_max3A_256 : vector<16xf32>, vector<16xi1> -> vector<16xf32>
      %reduce_max3A_258 = vector.extract %reduce_max3A_257[15] : f32 from vector<16xf32>
      %get3A_259 = arith.constant 176 : index
      %get3A_260 = tpu.vector_load %arg15[%get3A_259] {strides = array<i32>} : memref<256xf32, #tpu.memory_space<vmem>>, vector<16xf32>,
      %jit3A_261 = arith.constant 0xFF800000 : f32
      %broadcast_in_dim3A_262 = vector.broadcast %jit3A_261 : f32 to vector<16xf32>
      %select_n3A_263 = arith.select %eq3A_80, %get3A_260, %broadcast_in_dim3A_262 : vector<16xi1>, vector<16xf32>
      %reduce_max3A_264 = arith.constant true
      %reduce_max3A_265 = vector.broadcast %reduce_max3A_264 : i1 to vector<16xi1>
      %reduce_max3A_266 = tpu.scan <max>, %select_n3A_263 masked %reduce_max3A_265 : vector<16xf32>, vector<16xi1> -> vector<16xf32>
      %reduce_max3A_267 = vector.extract %reduce_max3A_266[15] : f32 from vector<16xf32>
      %jit3A_268 = arith.constant -1.000000e+00 : f32
      %broadcast_in_dim3A_269 = vector.broadcast %jit3A_268 : f32 to vector<16xf32>
      %select_n3A_270 = arith.select %eq3A_83, %get3A_260, %broadcast_in_dim3A_269 : vector<16xi1>, vector<16xf32>
      %reduce_max3A_271 = arith.constant true
      %reduce_max3A_272 = vector.broadcast %reduce_max3A_271 : i1 to vector<16xi1>
      %reduce_max3A_273 = tpu.scan <max>, %select_n3A_270 masked %reduce_max3A_272 : vector<16xf32>, vector<16xi1> -> vector<16xf32>
      %reduce_max3A_274 = vector.extract %reduce_max3A_273[15] : f32 from vector<16xf32>
      %get3A_275 = arith.constant 192 : index
      %get3A_276 = tpu.vector_load %arg15[%get3A_275] {strides = array<i32>} : memref<256xf32, #tpu.memory_space<vmem>>, vector<16xf32>,
      %jit3A_277 = arith.constant 0xFF800000 : f32
      %broadcast_in_dim3A_278 = vector.broadcast %jit3A_277 : f32 to vector<16xf32>
      %select_n3A_279 = arith.select %eq3A_80, %get3A_276, %broadcast_in_dim3A_278 : vector<16xi1>, vector<16xf32>
      %reduce_max3A_280 = arith.constant true
      %reduce_max3A_281 = vector.broadcast %reduce_max3A_280 : i1 to vector<16xi1>
      %reduce_max3A_282 = tpu.scan <max>, %select_n3A_279 masked %reduce_max3A_281 : vector<16xf32>, vector<16xi1> -> vector<16xf32>
      %reduce_max3A_283 = vector.extract %reduce_max3A_282[15] : f32 from vector<16xf32>
      %jit3A_284 = arith.constant -1.000000e+00 : f32
      %broadcast_in_dim3A_285 = vector.broadcast %jit3A_284 : f32 to vector<16xf32>
      %select_n3A_286 = arith.select %eq3A_83, %get3A_276, %broadcast_in_dim3A_285 : vector<16xi1>, vector<16xf32>
      %reduce_max3A_287 = arith.constant true
      %reduce_max3A_288 = vector.broadcast %reduce_max3A_287 : i1 to vector<16xi1>
      %reduce_max3A_289 = tpu.scan <max>, %select_n3A_286 masked %reduce_max3A_288 : vector<16xf32>, vector<16xi1> -> vector<16xf32>
      %reduce_max3A_290 = vector.extract %reduce_max3A_289[15] : f32 from vector<16xf32>
      %get3A_291 = arith.constant 208 : index
      %get3A_292 = tpu.vector_load %arg15[%get3A_291] {strides = array<i32>} : memref<256xf32, #tpu.memory_space<vmem>>, vector<16xf32>,
      %jit3A_293 = arith.constant 0xFF800000 : f32
      %broadcast_in_dim3A_294 = vector.broadcast %jit3A_293 : f32 to vector<16xf32>
      %select_n3A_295 = arith.select %eq3A_80, %get3A_292, %broadcast_in_dim3A_294 : vector<16xi1>, vector<16xf32>
      %reduce_max3A_296 = arith.constant true
      %reduce_max3A_297 = vector.broadcast %reduce_max3A_296 : i1 to vector<16xi1>
      %reduce_max3A_298 = tpu.scan <max>, %select_n3A_295 masked %reduce_max3A_297 : vector<16xf32>, vector<16xi1> -> vector<16xf32>
      %reduce_max3A_299 = vector.extract %reduce_max3A_298[15] : f32 from vector<16xf32>
      %jit3A_300 = arith.constant -1.000000e+00 : f32
      %broadcast_in_dim3A_301 = vector.broadcast %jit3A_300 : f32 to vector<16xf32>
      %select_n3A_302 = arith.select %eq3A_83, %get3A_292, %broadcast_in_dim3A_301 : vector<16xi1>, vector<16xf32>
      %reduce_max3A_303 = arith.constant true
      %reduce_max3A_304 = vector.broadcast %reduce_max3A_303 : i1 to vector<16xi1>
      %reduce_max3A_305 = tpu.scan <max>, %select_n3A_302 masked %reduce_max3A_304 : vector<16xf32>, vector<16xi1> -> vector<16xf32>
      %reduce_max3A_306 = vector.extract %reduce_max3A_305[15] : f32 from vector<16xf32>
      %get3A_307 = arith.constant 224 : index
      %get3A_308 = tpu.vector_load %arg15[%get3A_307] {strides = array<i32>} : memref<256xf32, #tpu.memory_space<vmem>>, vector<16xf32>,
      %jit3A_309 = arith.constant 0xFF800000 : f32
      %broadcast_in_dim3A_310 = vector.broadcast %jit3A_309 : f32 to vector<16xf32>
      %select_n3A_311 = arith.select %eq3A_80, %get3A_308, %broadcast_in_dim3A_310 : vector<16xi1>, vector<16xf32>
      %reduce_max3A_312 = arith.constant true
      %reduce_max3A_313 = vector.broadcast %reduce_max3A_312 : i1 to vector<16xi1>
      %reduce_max3A_314 = tpu.scan <max>, %select_n3A_311 masked %reduce_max3A_313 : vector<16xf32>, vector<16xi1> -> vector<16xf32>
      %reduce_max3A_315 = vector.extract %reduce_max3A_314[15] : f32 from vector<16xf32>
      %jit3A_316 = arith.constant -1.000000e+00 : f32
      %broadcast_in_dim3A_317 = vector.broadcast %jit3A_316 : f32 to vector<16xf32>
      %select_n3A_318 = arith.select %eq3A_83, %get3A_308, %broadcast_in_dim3A_317 : vector<16xi1>, vector<16xf32>
      %reduce_max3A_319 = arith.constant true
      %reduce_max3A_320 = vector.broadcast %reduce_max3A_319 : i1 to vector<16xi1>
      %reduce_max3A_321 = tpu.scan <max>, %select_n3A_318 masked %reduce_max3A_320 : vector<16xf32>, vector<16xi1> -> vector<16xf32>
      %reduce_max3A_322 = vector.extract %reduce_max3A_321[15] : f32 from vector<16xf32>
      %get3A_323 = arith.constant 240 : index
      %get3A_324 = tpu.vector_load %arg15[%get3A_323] {strides = array<i32>} : memref<256xf32, #tpu.memory_space<vmem>>, vector<16xf32>,
      %jit3A_325 = arith.constant 0xFF800000 : f32
      %broadcast_in_dim3A_326 = vector.broadcast %jit3A_325 : f32 to vector<16xf32>
      %select_n3A_327 = arith.select %eq3A_80, %get3A_324, %broadcast_in_dim3A_326 : vector<16xi1>, vector<16xf32>
      %reduce_max3A_328 = arith.constant true
      %reduce_max3A_329 = vector.broadcast %reduce_max3A_328 : i1 to vector<16xi1>
      %reduce_max3A_330 = tpu.scan <max>, %select_n3A_327 masked %reduce_max3A_329 : vector<16xf32>, vector<16xi1> -> vector<16xf32>
      %reduce_max3A_331 = vector.extract %reduce_max3A_330[15] : f32 from vector<16xf32>
      %jit3A_332 = arith.constant -1.000000e+00 : f32
      %broadcast_in_dim3A_333 = vector.broadcast %jit3A_332 : f32 to vector<16xf32>
      %select_n3A_334 = arith.select %eq3A_83, %get3A_324, %broadcast_in_dim3A_333 : vector<16xi1>, vector<16xf32>
      %reduce_max3A_335 = arith.constant true
      %reduce_max3A_336 = vector.broadcast %reduce_max3A_335 : i1 to vector<16xi1>
      %reduce_max3A_337 = tpu.scan <max>, %select_n3A_334 masked %reduce_max3A_336 : vector<16xf32>, vector<16xi1> -> vector<16xf32>
      %reduce_max3A_338 = vector.extract %reduce_max3A_337[15] : f32 from vector<16xf32>
      %gt3A = arith.cmpf ogt, %reduce_max3A_107, %reduce_max3A_91 : f32
      %eq3A_339 = arith.cmpf oeq, %reduce_max3A_107, %reduce_max3A_91 : f32
      %lt3A = arith.cmpf olt, %reduce_max3A_114, %reduce_max3A_98 : f32
      %and3A = arith.andi %eq3A_339, %lt3A : i1
      %or3A = arith.ori %gt3A, %and3A : i1
      %select_n3A_340 = arith.select %or3A, %reduce_max3A_107, %reduce_max3A_91 : f32
      %select_n3A_341 = arith.select %or3A, %reduce_max3A_114, %reduce_max3A_98 : f32
      %select_n3A_342 = arith.select %or3A, %get3A_100, %get3A_84 : vector<16xf32>
      %gt3A_343 = arith.cmpf ogt, %reduce_max3A_139, %reduce_max3A_123 : f32
      %eq3A_344 = arith.cmpf oeq, %reduce_max3A_139, %reduce_max3A_123 : f32
      %lt3A_345 = arith.cmpf olt, %reduce_max3A_146, %reduce_max3A_130 : f32
      %and3A_346 = arith.andi %eq3A_344, %lt3A_345 : i1
      %or3A_347 = arith.ori %gt3A_343, %and3A_346 : i1
      %select_n3A_348 = arith.select %or3A_347, %reduce_max3A_139, %reduce_max3A_123 : f32
      %select_n3A_349 = arith.select %or3A_347, %reduce_max3A_146, %reduce_max3A_130 : f32
      %select_n3A_350 = arith.select %or3A_347, %get3A_132, %get3A_116 : vector<16xf32>
      %gt3A_351 = arith.cmpf ogt, %reduce_max3A_171, %reduce_max3A_155 : f32
      %eq3A_352 = arith.cmpf oeq, %reduce_max3A_171, %reduce_max3A_155 : f32
      %lt3A_353 = arith.cmpf olt, %reduce_max3A_178, %reduce_max3A_162 : f32
      %and3A_354 = arith.andi %eq3A_352, %lt3A_353 : i1
      %or3A_355 = arith.ori %gt3A_351, %and3A_354 : i1
      %select_n3A_356 = arith.select %or3A_355, %reduce_max3A_171, %reduce_max3A_155 : f32
      %select_n3A_357 = arith.select %or3A_355, %reduce_max3A_178, %reduce_max3A_162 : f32
      %select_n3A_358 = arith.select %or3A_355, %get3A_164, %get3A_148 : vector<16xf32>
      %gt3A_359 = arith.cmpf ogt, %reduce_max3A_203, %reduce_max3A_187 : f32
      %eq3A_360 = arith.cmpf oeq, %reduce_max3A_203, %reduce_max3A_187 : f32
      %lt3A_361 = arith.cmpf olt, %reduce_max3A_210, %reduce_max3A_194 : f32
      %and3A_362 = arith.andi %eq3A_360, %lt3A_361 : i1
      %or3A_363 = arith.ori %gt3A_359, %and3A_362 : i1
      %select_n3A_364 = arith.select %or3A_363, %reduce_max3A_203, %reduce_max3A_187 : f32
      %select_n3A_365 = arith.select %or3A_363, %reduce_max3A_210, %reduce_max3A_194 : f32
      %select_n3A_366 = arith.select %or3A_363, %get3A_196, %get3A_180 : vector<16xf32>
      %gt3A_367 = arith.cmpf ogt, %reduce_max3A_235, %reduce_max3A_219 : f32
      %eq3A_368 = arith.cmpf oeq, %reduce_max3A_235, %reduce_max3A_219 : f32
      %lt3A_369 = arith.cmpf olt, %reduce_max3A_242, %reduce_max3A_226 : f32
      %and3A_370 = arith.andi %eq3A_368, %lt3A_369 : i1
      %or3A_371 = arith.ori %gt3A_367, %and3A_370 : i1
      %select_n3A_372 = arith.select %or3A_371, %reduce_max3A_235, %reduce_max3A_219 : f32
      %select_n3A_373 = arith.select %or3A_371, %reduce_max3A_242, %reduce_max3A_226 : f32
      %select_n3A_374 = arith.select %or3A_371, %get3A_228, %get3A_212 : vector<16xf32>
      %gt3A_375 = arith.cmpf ogt, %reduce_max3A_267, %reduce_max3A_251 : f32
      %eq3A_376 = arith.cmpf oeq, %reduce_max3A_267, %reduce_max3A_251 : f32
      %lt3A_377 = arith.cmpf olt, %reduce_max3A_274, %reduce_max3A_258 : f32
      %and3A_378 = arith.andi %eq3A_376, %lt3A_377 : i1
      %or3A_379 = arith.ori %gt3A_375, %and3A_378 : i1
      %select_n3A_380 = arith.select %or3A_379, %reduce_max3A_267, %reduce_max3A_251 : f32
      %select_n3A_381 = arith.select %or3A_379, %reduce_max3A_274, %reduce_max3A_258 : f32
      %select_n3A_382 = arith.select %or3A_379, %get3A_260, %get3A_244 : vector<16xf32>
      %gt3A_383 = arith.cmpf ogt, %reduce_max3A_299, %reduce_max3A_283 : f32
      %eq3A_384 = arith.cmpf oeq, %reduce_max3A_299, %reduce_max3A_283 : f32
      %lt3A_385 = arith.cmpf olt, %reduce_max3A_306, %reduce_max3A_290 : f32
      %and3A_386 = arith.andi %eq3A_384, %lt3A_385 : i1
      %or3A_387 = arith.ori %gt3A_383, %and3A_386 : i1
      %select_n3A_388 = arith.select %or3A_387, %reduce_max3A_299, %reduce_max3A_283 : f32
      %select_n3A_389 = arith.select %or3A_387, %reduce_max3A_306, %reduce_max3A_290 : f32
      %select_n3A_390 = arith.select %or3A_387, %get3A_292, %get3A_276 : vector<16xf32>
      %gt3A_391 = arith.cmpf ogt, %reduce_max3A_331, %reduce_max3A_315 : f32
      %eq3A_392 = arith.cmpf oeq, %reduce_max3A_331, %reduce_max3A_315 : f32
      %lt3A_393 = arith.cmpf olt, %reduce_max3A_338, %reduce_max3A_322 : f32
      %and3A_394 = arith.andi %eq3A_392, %lt3A_393 : i1
      %or3A_395 = arith.ori %gt3A_391, %and3A_394 : i1
      %select_n3A_396 = arith.select %or3A_395, %reduce_max3A_331, %reduce_max3A_315 : f32
      %select_n3A_397 = arith.select %or3A_395, %reduce_max3A_338, %reduce_max3A_322 : f32
      %select_n3A_398 = arith.select %or3A_395, %get3A_324, %get3A_308 : vector<16xf32>
      %gt3A_399 = arith.cmpf ogt, %select_n3A_348, %select_n3A_340 : f32
      %eq3A_400 = arith.cmpf oeq, %select_n3A_348, %select_n3A_340 : f32
      %lt3A_401 = arith.cmpf olt, %select_n3A_349, %select_n3A_341 : f32
      %and3A_402 = arith.andi %eq3A_400, %lt3A_401 : i1
      %or3A_403 = arith.ori %gt3A_399, %and3A_402 : i1
      %select_n3A_404 = arith.select %or3A_403, %select_n3A_348, %select_n3A_340 : f32
      %select_n3A_405 = arith.select %or3A_403, %select_n3A_349, %select_n3A_341 : f32
      %select_n3A_406 = arith.select %or3A_403, %select_n3A_350, %select_n3A_342 : vector<16xf32>
      %gt3A_407 = arith.cmpf ogt, %select_n3A_364, %select_n3A_356 : f32
      %eq3A_408 = arith.cmpf oeq, %select_n3A_364, %select_n3A_356 : f32
      %lt3A_409 = arith.cmpf olt, %select_n3A_365, %select_n3A_357 : f32
      %and3A_410 = arith.andi %eq3A_408, %lt3A_409 : i1
      %or3A_411 = arith.ori %gt3A_407, %and3A_410 : i1
      %select_n3A_412 = arith.select %or3A_411, %select_n3A_364, %select_n3A_356 : f32
      %select_n3A_413 = arith.select %or3A_411, %select_n3A_365, %select_n3A_357 : f32
      %select_n3A_414 = arith.select %or3A_411, %select_n3A_366, %select_n3A_358 : vector<16xf32>
      %gt3A_415 = arith.cmpf ogt, %select_n3A_380, %select_n3A_372 : f32
      %eq3A_416 = arith.cmpf oeq, %select_n3A_380, %select_n3A_372 : f32
      %lt3A_417 = arith.cmpf olt, %select_n3A_381, %select_n3A_373 : f32
      %and3A_418 = arith.andi %eq3A_416, %lt3A_417 : i1
      %or3A_419 = arith.ori %gt3A_415, %and3A_418 : i1
      %select_n3A_420 = arith.select %or3A_419, %select_n3A_380, %select_n3A_372 : f32
      %select_n3A_421 = arith.select %or3A_419, %select_n3A_381, %select_n3A_373 : f32
      %select_n3A_422 = arith.select %or3A_419, %select_n3A_382, %select_n3A_374 : vector<16xf32>
      %gt3A_423 = arith.cmpf ogt, %select_n3A_396, %select_n3A_388 : f32
      %eq3A_424 = arith.cmpf oeq, %select_n3A_396, %select_n3A_388 : f32
      %lt3A_425 = arith.cmpf olt, %select_n3A_397, %select_n3A_389 : f32
      %and3A_426 = arith.andi %eq3A_424, %lt3A_425 : i1
      %or3A_427 = arith.ori %gt3A_423, %and3A_426 : i1
      %select_n3A_428 = arith.select %or3A_427, %select_n3A_396, %select_n3A_388 : f32
      %select_n3A_429 = arith.select %or3A_427, %select_n3A_397, %select_n3A_389 : f32
      %select_n3A_430 = arith.select %or3A_427, %select_n3A_398, %select_n3A_390 : vector<16xf32>
      %gt3A_431 = arith.cmpf ogt, %select_n3A_412, %select_n3A_404 : f32
      %eq3A_432 = arith.cmpf oeq, %select_n3A_412, %select_n3A_404 : f32
      %lt3A_433 = arith.cmpf olt, %select_n3A_413, %select_n3A_405 : f32
      %and3A_434 = arith.andi %eq3A_432, %lt3A_433 : i1
      %or3A_435 = arith.ori %gt3A_431, %and3A_434 : i1
      %select_n3A_436 = arith.select %or3A_435, %select_n3A_412, %select_n3A_404 : f32
      %select_n3A_437 = arith.select %or3A_435, %select_n3A_413, %select_n3A_405 : f32
      %select_n3A_438 = arith.select %or3A_435, %select_n3A_414, %select_n3A_406 : vector<16xf32>
      %gt3A_439 = arith.cmpf ogt, %select_n3A_428, %select_n3A_420 : f32
      %eq3A_440 = arith.cmpf oeq, %select_n3A_428, %select_n3A_420 : f32
      %lt3A_441 = arith.cmpf olt, %select_n3A_429, %select_n3A_421 : f32
      %and3A_442 = arith.andi %eq3A_440, %lt3A_441 : i1
      %or3A_443 = arith.ori %gt3A_439, %and3A_442 : i1
      %select_n3A_444 = arith.select %or3A_443, %select_n3A_428, %select_n3A_420 : f32
      %select_n3A_445 = arith.select %or3A_443, %select_n3A_429, %select_n3A_421 : f32
      %select_n3A_446 = arith.select %or3A_443, %select_n3A_430, %select_n3A_422 : vector<16xf32>
      %gt3A_447 = arith.cmpf ogt, %select_n3A_444, %select_n3A_436 : f32
      %eq3A_448 = arith.cmpf oeq, %select_n3A_444, %select_n3A_436 : f32
      %lt3A_449 = arith.cmpf olt, %select_n3A_445, %select_n3A_437 : f32
      %and3A_450 = arith.andi %eq3A_448, %lt3A_449 : i1
      %or3A_451 = arith.ori %gt3A_447, %and3A_450 : i1
      %select_n3A_452 = arith.select %or3A_451, %select_n3A_444, %select_n3A_436 : f32
      %select_n3A_453 = arith.select %or3A_451, %select_n3A_445, %select_n3A_437 : f32
      %select_n3A_454 = arith.select %or3A_451, %select_n3A_446, %select_n3A_438 : vector<16xf32>
      %eq3A_455 = arith.constant 1 : i32
      %eq3A_456 = vector.broadcast %eq3A_455 : i32 to vector<16xi32>
      %eq3A_457 = arith.cmpi eq, %iota3A, %eq3A_456 : vector<16xi32>
      %jit3A_458 = arith.constant 0xFF800000 : f32
      %broadcast_in_dim3A_459 = vector.broadcast %jit3A_458 : f32 to vector<16xf32>
      %select_n3A_460 = arith.select %eq3A_457, %select_n3A_454, %broadcast_in_dim3A_459 : vector<16xi1>, vector<16xf32>
      %reduce_max3A_461 = arith.constant true
      %reduce_max3A_462 = vector.broadcast %reduce_max3A_461 : i1 to vector<16xi1>
      %reduce_max3A_463 = tpu.scan <max>, %select_n3A_460 masked %reduce_max3A_462 : vector<16xf32>, vector<16xi1> -> vector<16xf32>
      %reduce_max3A_464 = vector.extract %reduce_max3A_463[15] : f32 from vector<16xf32>
      %eq3A_465 = arith.constant 2 : i32
      %eq3A_466 = vector.broadcast %eq3A_465 : i32 to vector<16xi32>
      %eq3A_467 = arith.cmpi eq, %iota3A, %eq3A_466 : vector<16xi32>
      %jit3A_468 = arith.constant 0xFF800000 : f32
      %broadcast_in_dim3A_469 = vector.broadcast %jit3A_468 : f32 to vector<16xf32>
      %select_n3A_470 = arith.select %eq3A_467, %select_n3A_454, %broadcast_in_dim3A_469 : vector<16xi1>, vector<16xf32>
      %reduce_max3A_471 = arith.constant true
      %reduce_max3A_472 = vector.broadcast %reduce_max3A_471 : i1 to vector<16xi1>
      %reduce_max3A_473 = tpu.scan <max>, %select_n3A_470 masked %reduce_max3A_472 : vector<16xf32>, vector<16xi1> -> vector<16xf32>
      %reduce_max3A_474 = vector.extract %reduce_max3A_473[15] : f32 from vector<16xf32>
      %eq3A_475 = arith.constant 3 : i32
      %eq3A_476 = vector.broadcast %eq3A_475 : i32 to vector<16xi32>
      %eq3A_477 = arith.cmpi eq, %iota3A, %eq3A_476 : vector<16xi32>
      %jit3A_478 = arith.constant 0xFF800000 : f32
      %broadcast_in_dim3A_479 = vector.broadcast %jit3A_478 : f32 to vector<16xf32>
      %select_n3A_480 = arith.select %eq3A_477, %select_n3A_454, %broadcast_in_dim3A_479 : vector<16xi1>, vector<16xf32>
      %reduce_max3A_481 = arith.constant true
      %reduce_max3A_482 = vector.broadcast %reduce_max3A_481 : i1 to vector<16xi1>
      %reduce_max3A_483 = tpu.scan <max>, %select_n3A_480 masked %reduce_max3A_482 : vector<16xf32>, vector<16xi1> -> vector<16xf32>
      %reduce_max3A_484 = vector.extract %reduce_max3A_483[15] : f32 from vector<16xf32>
      %eq3A_485 = arith.constant 4 : i32
      %eq3A_486 = vector.broadcast %eq3A_485 : i32 to vector<16xi32>
      %eq3A_487 = arith.cmpi eq, %iota3A, %eq3A_486 : vector<16xi32>
      %jit3A_488 = arith.constant 0xFF800000 : f32
      %broadcast_in_dim3A_489 = vector.broadcast %jit3A_488 : f32 to vector<16xf32>
      %select_n3A_490 = arith.select %eq3A_487, %select_n3A_454, %broadcast_in_dim3A_489 : vector<16xi1>, vector<16xf32>
      %reduce_max3A_491 = arith.constant true
      %reduce_max3A_492 = vector.broadcast %reduce_max3A_491 : i1 to vector<16xi1>
      %reduce_max3A_493 = tpu.scan <max>, %select_n3A_490 masked %reduce_max3A_492 : vector<16xf32>, vector<16xi1> -> vector<16xf32>
      %reduce_max3A_494 = vector.extract %reduce_max3A_493[15] : f32 from vector<16xf32>
      %gt3A_495 = arith.constant 0xFF800000 : f32
      %gt3A_496 = arith.cmpf ogt, %select_n3A_452, %gt3A_495 : f32
      %sub3A_497 = arith.subf %reduce_max3A_484, %reduce_max3A_464 : f32
      %max3A = arith.constant 0.000000e+00 : f32
      %max3A_498 = arith.maximumf %sub3A_497, %max3A : f32
      %sub3A_499 = arith.subf %reduce_max3A_494, %reduce_max3A_474 : f32
      %max3A_500 = arith.constant 0.000000e+00 : f32
      %max3A_501 = arith.maximumf %sub3A_499, %max3A_500 : f32
      %mul3A_502 = arith.mulf %max3A_498, %max3A_501 : f32
      %eq3A_503 = arith.constant 0 : i32
      %eq3A_504 = arith.cmpi eq, %arg1, %eq3A_503 : i32
      %convert_element_type3A_505 = arith.extui %eq3A_504 : i1 to i32
      %cond3A_506 = arith.constant 0 : i32
      %cond3A_507 = arith.cmpi ne, %convert_element_type3A_505, %cond3A_506 : i32
      scf.if %cond3A_507 {
        %eq3A_514 = arith.constant 0 : i32
        %eq3A_515 = vector.broadcast %eq3A_514 : i32 to vector<16xi32>
        %eq3A_516 = arith.cmpi eq, %iota3A, %eq3A_515 : vector<16xi32>
        %broadcast_in_dim3A_517 = vector.broadcast %reduce_max3A_464 : f32 to vector<16xf32>
        %eq3A_518 = arith.constant 1 : i32
        %eq3A_519 = vector.broadcast %eq3A_518 : i32 to vector<16xi32>
        %eq3A_520 = arith.cmpi eq, %iota3A, %eq3A_519 : vector<16xi32>
        %broadcast_in_dim3A_521 = vector.broadcast %reduce_max3A_474 : f32 to vector<16xf32>
        %eq3A_522 = arith.constant 2 : i32
        %eq3A_523 = vector.broadcast %eq3A_522 : i32 to vector<16xi32>
        %eq3A_524 = arith.cmpi eq, %iota3A, %eq3A_523 : vector<16xi32>
        %broadcast_in_dim3A_525 = vector.broadcast %reduce_max3A_484 : f32 to vector<16xf32>
        %eq3A_526 = arith.constant 3 : i32
        %eq3A_527 = vector.broadcast %eq3A_526 : i32 to vector<16xi32>
        %eq3A_528 = arith.cmpi eq, %iota3A, %eq3A_527 : vector<16xi32>
        %broadcast_in_dim3A_529 = vector.broadcast %reduce_max3A_494 : f32 to vector<16xf32>
        %eq3A_530 = arith.constant 4 : i32
        %eq3A_531 = vector.broadcast %eq3A_530 : i32 to vector<16xi32>
        %eq3A_532 = arith.cmpi eq, %iota3A, %eq3A_531 : vector<16xi32>
        %broadcast_in_dim3A_533 = vector.broadcast %select_n3A_452 : f32 to vector<16xf32>
        %jit3A_534 = arith.constant 0.000000e+00 : f32
        %broadcast_in_dim3A_535 = vector.broadcast %jit3A_534 : f32 to vector<16xf32>
        %select_n3A_536 = arith.select %eq3A_532, %broadcast_in_dim3A_533, %broadcast_in_dim3A_535 : vector<16xi1>, vector<16xf32>
        %select_n3A_537 = arith.select %eq3A_528, %broadcast_in_dim3A_529, %select_n3A_536 : vector<16xi1>, vector<16xf32>
        %select_n3A_538 = arith.select %eq3A_524, %broadcast_in_dim3A_525, %select_n3A_537 : vector<16xi1>, vector<16xf32>
        %select_n3A_539 = arith.select %eq3A_520, %broadcast_in_dim3A_521, %select_n3A_538 : vector<16xi1>, vector<16xf32>
        %select_n3A_540 = arith.select %eq3A_516, %broadcast_in_dim3A_517, %select_n3A_539 : vector<16xi1>, vector<16xf32>
        %jit3A_541 = arith.constant 0.000000e+00 : f32
        %broadcast_in_dim3A_542 = vector.broadcast %jit3A_541 : f32 to vector<16xf32>
        %select_n3A_543 = arith.select %gt3A_496, %select_n3A_540, %broadcast_in_dim3A_542 : vector<16xf32>
        %mul3A_544 = arith.constant 16 : i32
        %mul3A_545 = arith.muli %scan3A_18, %mul3A_544 : i32
        %swap3A_546 = arith.index_cast %mul3A_545 : i32 to index
        %swap3A_547 = tpu.vector_load %arg16[%swap3A_546] {strides = array<i32>} : memref<1600xf32, #tpu.memory_space<vmem>>, vector<16xf32>,
        tpu.vector_store %arg16[%swap3A_546], %select_n3A_543 {strides = array<i32>} : memref<1600xf32, #tpu.memory_space<vmem>>, vector<16xf32>,
      } else {
      }
      %scan3A_508 = arith.constant 0 : i32
      %scan3A_509 = arith.constant 20 : i32
      %scan3A_510 = arith.addi %scan3A_508, %scan3A_509 : i32
      %scan3A_511 = arith.constant 1 : i32
      %scan3A_512:2 = scf.for %scan3A_514 = %scan3A_508 to %scan3A_510 step %scan3A_511 iter_args(%scan3A_515 = %broadcast_in_dim3A_1, %scan3A_516 = %broadcast_in_dim3A_3) -> (vector<16xf32>, vector<16xi32>)  : i32 {
        %mul3A_517 = arith.constant 4 : i32
        %mul3A_518 = arith.muli %scan3A_514, %mul3A_517 : i32
        %add3A_519 = arith.constant 0 : i32
        %add3A_520 = arith.addi %mul3A_518, %add3A_519 : i32
        %mul3A_521 = arith.constant 16 : i32
        %mul3A_522 = arith.muli %add3A_520, %mul3A_521 : i32
        %get3A_523 = arith.index_cast %mul3A_522 : i32 to index
        %get3A_524 = tpu.vector_load %arg8[%get3A_523] {strides = array<i32>} : memref<1280xf32, #tpu.memory_space<vmem>>, vector<16xf32>,
        %max3A_525 = vector.broadcast %reduce_max3A_464 : f32 to vector<16xf32>
        %max3A_526 = arith.maximumf %max3A_525, %get3A_524 : vector<16xf32>
        %get3A_527 = arith.index_cast %mul3A_522 : i32 to index
        %get3A_528 = tpu.vector_load %arg9[%get3A_527] {strides = array<i32>} : memref<1280xf32, #tpu.memory_space<vmem>>, vector<16xf32>,
        %max3A_529 = vector.broadcast %reduce_max3A_474 : f32 to vector<16xf32>
        %max3A_530 = arith.maximumf %max3A_529, %get3A_528 : vector<16xf32>
        %get3A_531 = arith.index_cast %mul3A_522 : i32 to index
        %get3A_532 = tpu.vector_load %arg10[%get3A_531] {strides = array<i32>} : memref<1280xf32, #tpu.memory_space<vmem>>, vector<16xf32>,
        %min3A = vector.broadcast %reduce_max3A_484 : f32 to vector<16xf32>
        %min3A_533 = arith.minimumf %min3A, %get3A_532 : vector<16xf32>
        %get3A_534 = arith.index_cast %mul3A_522 : i32 to index
        %get3A_535 = tpu.vector_load %arg11[%get3A_534] {strides = array<i32>} : memref<1280xf32, #tpu.memory_space<vmem>>, vector<16xf32>,
        %min3A_536 = vector.broadcast %reduce_max3A_494 : f32 to vector<16xf32>
        %min3A_537 = arith.minimumf %min3A_536, %get3A_535 : vector<16xf32>
        %sub3A_538 = arith.subf %min3A_533, %max3A_526 : vector<16xf32>
        %max3A_539 = arith.constant 0.000000e+00 : f32
        %max3A_540 = vector.broadcast %max3A_539 : f32 to vector<16xf32>
        %max3A_541 = arith.maximumf %sub3A_538, %max3A_540 : vector<16xf32>
        %sub3A_542 = arith.subf %min3A_537, %max3A_530 : vector<16xf32>
        %max3A_543 = arith.constant 0.000000e+00 : f32
        %max3A_544 = vector.broadcast %max3A_543 : f32 to vector<16xf32>
        %max3A_545 = arith.maximumf %sub3A_542, %max3A_544 : vector<16xf32>
        %mul3A_546 = arith.mulf %max3A_541, %max3A_545 : vector<16xf32>
        %get3A_547 = arith.index_cast %mul3A_522 : i32 to index
        %get3A_548 = tpu.vector_load %arg12[%get3A_547] {strides = array<i32>} : memref<1280xf32, #tpu.memory_space<vmem>>, vector<16xf32>,
        %add3A_549 = vector.broadcast %mul3A_502 : f32 to vector<16xf32>
        %add3A_550 = arith.addf %add3A_549, %get3A_548 : vector<16xf32>
        %sub3A_551 = arith.subf %add3A_550, %mul3A_546 : vector<16xf32>
        %add3A_552 = arith.constant 9.99999971E-10 : f32
        %add3A_553 = vector.broadcast %add3A_552 : f32 to vector<16xf32>
        %add3A_554 = arith.addf %sub3A_551, %add3A_553 : vector<16xf32>
        %div3A = arith.divf %mul3A_546, %add3A_554 : vector<16xf32>
        %gt3A_555 = arith.constant 5.000000e-01 : f32
        %gt3A_556 = vector.broadcast %gt3A_555 : f32 to vector<16xf32>
        %gt3A_557 = arith.cmpf ogt, %div3A, %gt3A_556 : vector<16xf32>
        %get3A_558 = arith.index_cast %mul3A_522 : i32 to index
        %get3A_559 = tpu.vector_load %arg13[%get3A_558] {strides = array<i32>} : memref<1280xf32, #tpu.memory_space<vmem>>, vector<16xf32>,
        %jit3A_560 = arith.constant 0xFF800000 : f32
        %broadcast_in_dim3A_561 = vector.broadcast %jit3A_560 : f32 to vector<16xf32>
        %select_n3A_562 = arith.select %gt3A_557, %broadcast_in_dim3A_561, %get3A_559 : vector<16xi1>, vector<16xf32>
        %swap3A_563 = arith.index_cast %mul3A_522 : i32 to index
        %swap3A_564 = tpu.vector_load %arg13[%swap3A_563] {strides = array<i32>} : memref<1280xf32, #tpu.memory_space<vmem>>, vector<16xf32>,
        tpu.vector_store %arg13[%swap3A_563], %select_n3A_562 {strides = array<i32>} : memref<1280xf32, #tpu.memory_space<vmem>>, vector<16xf32>,
        %gt3A_565 = arith.cmpf ogt, %select_n3A_562, %scan3A_515 : vector<16xf32>
        %select_n3A_566 = arith.select %gt3A_565, %select_n3A_562, %scan3A_515 : vector<16xi1>, vector<16xf32>
        %broadcast_in_dim3A_567 = vector.broadcast %add3A_520 : i32 to vector<16xi32>
        %select_n3A_568 = arith.select %gt3A_565, %broadcast_in_dim3A_567, %scan3A_516 : vector<16xi1>, vector<16xi32>
        %mul3A_569 = arith.constant 4 : i32
        %mul3A_570 = arith.muli %scan3A_514, %mul3A_569 : i32
        %add3A_571 = arith.constant 1 : i32
        %add3A_572 = arith.addi %mul3A_570, %add3A_571 : i32
        %mul3A_573 = arith.constant 16 : i32
        %mul3A_574 = arith.muli %add3A_572, %mul3A_573 : i32
        %get3A_575 = arith.index_cast %mul3A_574 : i32 to index
        %get3A_576 = tpu.vector_load %arg8[%get3A_575] {strides = array<i32>} : memref<1280xf32, #tpu.memory_space<vmem>>, vector<16xf32>,
        %max3A_577 = vector.broadcast %reduce_max3A_464 : f32 to vector<16xf32>
        %max3A_578 = arith.maximumf %max3A_577, %get3A_576 : vector<16xf32>
        %get3A_579 = arith.index_cast %mul3A_574 : i32 to index
        %get3A_580 = tpu.vector_load %arg9[%get3A_579] {strides = array<i32>} : memref<1280xf32, #tpu.memory_space<vmem>>, vector<16xf32>,
        %max3A_581 = vector.broadcast %reduce_max3A_474 : f32 to vector<16xf32>
        %max3A_582 = arith.maximumf %max3A_581, %get3A_580 : vector<16xf32>
        %get3A_583 = arith.index_cast %mul3A_574 : i32 to index
        %get3A_584 = tpu.vector_load %arg10[%get3A_583] {strides = array<i32>} : memref<1280xf32, #tpu.memory_space<vmem>>, vector<16xf32>,
        %min3A_585 = vector.broadcast %reduce_max3A_484 : f32 to vector<16xf32>
        %min3A_586 = arith.minimumf %min3A_585, %get3A_584 : vector<16xf32>
        %get3A_587 = arith.index_cast %mul3A_574 : i32 to index
        %get3A_588 = tpu.vector_load %arg11[%get3A_587] {strides = array<i32>} : memref<1280xf32, #tpu.memory_space<vmem>>, vector<16xf32>,
        %min3A_589 = vector.broadcast %reduce_max3A_494 : f32 to vector<16xf32>
        %min3A_590 = arith.minimumf %min3A_589, %get3A_588 : vector<16xf32>
        %sub3A_591 = arith.subf %min3A_586, %max3A_578 : vector<16xf32>
        %max3A_592 = arith.constant 0.000000e+00 : f32
        %max3A_593 = vector.broadcast %max3A_592 : f32 to vector<16xf32>
        %max3A_594 = arith.maximumf %sub3A_591, %max3A_593 : vector<16xf32>
        %sub3A_595 = arith.subf %min3A_590, %max3A_582 : vector<16xf32>
        %max3A_596 = arith.constant 0.000000e+00 : f32
        %max3A_597 = vector.broadcast %max3A_596 : f32 to vector<16xf32>
        %max3A_598 = arith.maximumf %sub3A_595, %max3A_597 : vector<16xf32>
        %mul3A_599 = arith.mulf %max3A_594, %max3A_598 : vector<16xf32>
        %get3A_600 = arith.index_cast %mul3A_574 : i32 to index
        %get3A_601 = tpu.vector_load %arg12[%get3A_600] {strides = array<i32>} : memref<1280xf32, #tpu.memory_space<vmem>>, vector<16xf32>,
        %add3A_602 = vector.broadcast %mul3A_502 : f32 to vector<16xf32>
        %add3A_603 = arith.addf %add3A_602, %get3A_601 : vector<16xf32>
        %sub3A_604 = arith.subf %add3A_603, %mul3A_599 : vector<16xf32>
        %add3A_605 = arith.constant 9.99999971E-10 : f32
        %add3A_606 = vector.broadcast %add3A_605 : f32 to vector<16xf32>
        %add3A_607 = arith.addf %sub3A_604, %add3A_606 : vector<16xf32>
        %div3A_608 = arith.divf %mul3A_599, %add3A_607 : vector<16xf32>
        %gt3A_609 = arith.constant 5.000000e-01 : f32
        %gt3A_610 = vector.broadcast %gt3A_609 : f32 to vector<16xf32>
        %gt3A_611 = arith.cmpf ogt, %div3A_608, %gt3A_610 : vector<16xf32>
        %get3A_612 = arith.index_cast %mul3A_574 : i32 to index
        %get3A_613 = tpu.vector_load %arg13[%get3A_612] {strides = array<i32>} : memref<1280xf32, #tpu.memory_space<vmem>>, vector<16xf32>,
        %jit3A_614 = arith.constant 0xFF800000 : f32
        %broadcast_in_dim3A_615 = vector.broadcast %jit3A_614 : f32 to vector<16xf32>
        %select_n3A_616 = arith.select %gt3A_611, %broadcast_in_dim3A_615, %get3A_613 : vector<16xi1>, vector<16xf32>
        %swap3A_617 = arith.index_cast %mul3A_574 : i32 to index
        %swap3A_618 = tpu.vector_load %arg13[%swap3A_617] {strides = array<i32>} : memref<1280xf32, #tpu.memory_space<vmem>>, vector<16xf32>,
        tpu.vector_store %arg13[%swap3A_617], %select_n3A_616 {strides = array<i32>} : memref<1280xf32, #tpu.memory_space<vmem>>, vector<16xf32>,
        %gt3A_619 = arith.cmpf ogt, %select_n3A_616, %select_n3A_566 : vector<16xf32>
        %select_n3A_620 = arith.select %gt3A_619, %select_n3A_616, %select_n3A_566 : vector<16xi1>, vector<16xf32>
        %broadcast_in_dim3A_621 = vector.broadcast %add3A_572 : i32 to vector<16xi32>
        %select_n3A_622 = arith.select %gt3A_619, %broadcast_in_dim3A_621, %select_n3A_568 : vector<16xi1>, vector<16xi32>
        %mul3A_623 = arith.constant 4 : i32
        %mul3A_624 = arith.muli %scan3A_514, %mul3A_623 : i32
        %add3A_625 = arith.constant 2 : i32
        %add3A_626 = arith.addi %mul3A_624, %add3A_625 : i32
        %mul3A_627 = arith.constant 16 : i32
        %mul3A_628 = arith.muli %add3A_626, %mul3A_627 : i32
        %get3A_629 = arith.index_cast %mul3A_628 : i32 to index
        %get3A_630 = tpu.vector_load %arg8[%get3A_629] {strides = array<i32>} : memref<1280xf32, #tpu.memory_space<vmem>>, vector<16xf32>,
        %max3A_631 = vector.broadcast %reduce_max3A_464 : f32 to vector<16xf32>
        %max3A_632 = arith.maximumf %max3A_631, %get3A_630 : vector<16xf32>
        %get3A_633 = arith.index_cast %mul3A_628 : i32 to index
        %get3A_634 = tpu.vector_load %arg9[%get3A_633] {strides = array<i32>} : memref<1280xf32, #tpu.memory_space<vmem>>, vector<16xf32>,
        %max3A_635 = vector.broadcast %reduce_max3A_474 : f32 to vector<16xf32>
        %max3A_636 = arith.maximumf %max3A_635, %get3A_634 : vector<16xf32>
        %get3A_637 = arith.index_cast %mul3A_628 : i32 to index
        %get3A_638 = tpu.vector_load %arg10[%get3A_637] {strides = array<i32>} : memref<1280xf32, #tpu.memory_space<vmem>>, vector<16xf32>,
        %min3A_639 = vector.broadcast %reduce_max3A_484 : f32 to vector<16xf32>
        %min3A_640 = arith.minimumf %min3A_639, %get3A_638 : vector<16xf32>
        %get3A_641 = arith.index_cast %mul3A_628 : i32 to index
        %get3A_642 = tpu.vector_load %arg11[%get3A_641] {strides = array<i32>} : memref<1280xf32, #tpu.memory_space<vmem>>, vector<16xf32>,
        %min3A_643 = vector.broadcast %reduce_max3A_494 : f32 to vector<16xf32>
        %min3A_644 = arith.minimumf %min3A_643, %get3A_642 : vector<16xf32>
        %sub3A_645 = arith.subf %min3A_640, %max3A_632 : vector<16xf32>
        %max3A_646 = arith.constant 0.000000e+00 : f32
        %max3A_647 = vector.broadcast %max3A_646 : f32 to vector<16xf32>
        %max3A_648 = arith.maximumf %sub3A_645, %max3A_647 : vector<16xf32>
        %sub3A_649 = arith.subf %min3A_644, %max3A_636 : vector<16xf32>
        %max3A_650 = arith.constant 0.000000e+00 : f32
        %max3A_651 = vector.broadcast %max3A_650 : f32 to vector<16xf32>
        %max3A_652 = arith.maximumf %sub3A_649, %max3A_651 : vector<16xf32>
        %mul3A_653 = arith.mulf %max3A_648, %max3A_652 : vector<16xf32>
        %get3A_654 = arith.index_cast %mul3A_628 : i32 to index
        %get3A_655 = tpu.vector_load %arg12[%get3A_654] {strides = array<i32>} : memref<1280xf32, #tpu.memory_space<vmem>>, vector<16xf32>,
        %add3A_656 = vector.broadcast %mul3A_502 : f32 to vector<16xf32>
        %add3A_657 = arith.addf %add3A_656, %get3A_655 : vector<16xf32>
        %sub3A_658 = arith.subf %add3A_657, %mul3A_653 : vector<16xf32>
        %add3A_659 = arith.constant 9.99999971E-10 : f32
        %add3A_660 = vector.broadcast %add3A_659 : f32 to vector<16xf32>
        %add3A_661 = arith.addf %sub3A_658, %add3A_660 : vector<16xf32>
        %div3A_662 = arith.divf %mul3A_653, %add3A_661 : vector<16xf32>
        %gt3A_663 = arith.constant 5.000000e-01 : f32
        %gt3A_664 = vector.broadcast %gt3A_663 : f32 to vector<16xf32>
        %gt3A_665 = arith.cmpf ogt, %div3A_662, %gt3A_664 : vector<16xf32>
        %get3A_666 = arith.index_cast %mul3A_628 : i32 to index
        %get3A_667 = tpu.vector_load %arg13[%get3A_666] {strides = array<i32>} : memref<1280xf32, #tpu.memory_space<vmem>>, vector<16xf32>,
        %jit3A_668 = arith.constant 0xFF800000 : f32
        %broadcast_in_dim3A_669 = vector.broadcast %jit3A_668 : f32 to vector<16xf32>
        %select_n3A_670 = arith.select %gt3A_665, %broadcast_in_dim3A_669, %get3A_667 : vector<16xi1>, vector<16xf32>
        %swap3A_671 = arith.index_cast %mul3A_628 : i32 to index
        %swap3A_672 = tpu.vector_load %arg13[%swap3A_671] {strides = array<i32>} : memref<1280xf32, #tpu.memory_space<vmem>>, vector<16xf32>,
        tpu.vector_store %arg13[%swap3A_671], %select_n3A_670 {strides = array<i32>} : memref<1280xf32, #tpu.memory_space<vmem>>, vector<16xf32>,
        %gt3A_673 = arith.cmpf ogt, %select_n3A_670, %select_n3A_620 : vector<16xf32>
        %select_n3A_674 = arith.select %gt3A_673, %select_n3A_670, %select_n3A_620 : vector<16xi1>, vector<16xf32>
        %broadcast_in_dim3A_675 = vector.broadcast %add3A_626 : i32 to vector<16xi32>
        %select_n3A_676 = arith.select %gt3A_673, %broadcast_in_dim3A_675, %select_n3A_622 : vector<16xi1>, vector<16xi32>
        %mul3A_677 = arith.constant 4 : i32
        %mul3A_678 = arith.muli %scan3A_514, %mul3A_677 : i32
        %add3A_679 = arith.constant 3 : i32
        %add3A_680 = arith.addi %mul3A_678, %add3A_679 : i32
        %mul3A_681 = arith.constant 16 : i32
        %mul3A_682 = arith.muli %add3A_680, %mul3A_681 : i32
        %get3A_683 = arith.index_cast %mul3A_682 : i32 to index
        %get3A_684 = tpu.vector_load %arg8[%get3A_683] {strides = array<i32>} : memref<1280xf32, #tpu.memory_space<vmem>>, vector<16xf32>,
        %max3A_685 = vector.broadcast %reduce_max3A_464 : f32 to vector<16xf32>
        %max3A_686 = arith.maximumf %max3A_685, %get3A_684 : vector<16xf32>
        %get3A_687 = arith.index_cast %mul3A_682 : i32 to index
        %get3A_688 = tpu.vector_load %arg9[%get3A_687] {strides = array<i32>} : memref<1280xf32, #tpu.memory_space<vmem>>, vector<16xf32>,
        %max3A_689 = vector.broadcast %reduce_max3A_474 : f32 to vector<16xf32>
        %max3A_690 = arith.maximumf %max3A_689, %get3A_688 : vector<16xf32>
        %get3A_691 = arith.index_cast %mul3A_682 : i32 to index
        %get3A_692 = tpu.vector_load %arg10[%get3A_691] {strides = array<i32>} : memref<1280xf32, #tpu.memory_space<vmem>>, vector<16xf32>,
        %min3A_693 = vector.broadcast %reduce_max3A_484 : f32 to vector<16xf32>
        %min3A_694 = arith.minimumf %min3A_693, %get3A_692 : vector<16xf32>
        %get3A_695 = arith.index_cast %mul3A_682 : i32 to index
        %get3A_696 = tpu.vector_load %arg11[%get3A_695] {strides = array<i32>} : memref<1280xf32, #tpu.memory_space<vmem>>, vector<16xf32>,
        %min3A_697 = vector.broadcast %reduce_max3A_494 : f32 to vector<16xf32>
        %min3A_698 = arith.minimumf %min3A_697, %get3A_696 : vector<16xf32>
        %sub3A_699 = arith.subf %min3A_694, %max3A_686 : vector<16xf32>
        %max3A_700 = arith.constant 0.000000e+00 : f32
        %max3A_701 = vector.broadcast %max3A_700 : f32 to vector<16xf32>
        %max3A_702 = arith.maximumf %sub3A_699, %max3A_701 : vector<16xf32>
        %sub3A_703 = arith.subf %min3A_698, %max3A_690 : vector<16xf32>
        %max3A_704 = arith.constant 0.000000e+00 : f32
        %max3A_705 = vector.broadcast %max3A_704 : f32 to vector<16xf32>
        %max3A_706 = arith.maximumf %sub3A_703, %max3A_705 : vector<16xf32>
        %mul3A_707 = arith.mulf %max3A_702, %max3A_706 : vector<16xf32>
        %get3A_708 = arith.index_cast %mul3A_682 : i32 to index
        %get3A_709 = tpu.vector_load %arg12[%get3A_708] {strides = array<i32>} : memref<1280xf32, #tpu.memory_space<vmem>>, vector<16xf32>,
        %add3A_710 = vector.broadcast %mul3A_502 : f32 to vector<16xf32>
        %add3A_711 = arith.addf %add3A_710, %get3A_709 : vector<16xf32>
        %sub3A_712 = arith.subf %add3A_711, %mul3A_707 : vector<16xf32>
        %add3A_713 = arith.constant 9.99999971E-10 : f32
        %add3A_714 = vector.broadcast %add3A_713 : f32 to vector<16xf32>
        %add3A_715 = arith.addf %sub3A_712, %add3A_714 : vector<16xf32>
        %div3A_716 = arith.divf %mul3A_707, %add3A_715 : vector<16xf32>
        %gt3A_717 = arith.constant 5.000000e-01 : f32
        %gt3A_718 = vector.broadcast %gt3A_717 : f32 to vector<16xf32>
        %gt3A_719 = arith.cmpf ogt, %div3A_716, %gt3A_718 : vector<16xf32>
        %get3A_720 = arith.index_cast %mul3A_682 : i32 to index
        %get3A_721 = tpu.vector_load %arg13[%get3A_720] {strides = array<i32>} : memref<1280xf32, #tpu.memory_space<vmem>>, vector<16xf32>,
        %jit3A_722 = arith.constant 0xFF800000 : f32
        %broadcast_in_dim3A_723 = vector.broadcast %jit3A_722 : f32 to vector<16xf32>
        %select_n3A_724 = arith.select %gt3A_719, %broadcast_in_dim3A_723, %get3A_721 : vector<16xi1>, vector<16xf32>
        %swap3A_725 = arith.index_cast %mul3A_682 : i32 to index
        %swap3A_726 = tpu.vector_load %arg13[%swap3A_725] {strides = array<i32>} : memref<1280xf32, #tpu.memory_space<vmem>>, vector<16xf32>,
        tpu.vector_store %arg13[%swap3A_725], %select_n3A_724 {strides = array<i32>} : memref<1280xf32, #tpu.memory_space<vmem>>, vector<16xf32>,
        %gt3A_727 = arith.cmpf ogt, %select_n3A_724, %select_n3A_674 : vector<16xf32>
        %select_n3A_728 = arith.select %gt3A_727, %select_n3A_724, %select_n3A_674 : vector<16xi1>, vector<16xf32>
        %broadcast_in_dim3A_729 = vector.broadcast %add3A_680 : i32 to vector<16xi32>
        %select_n3A_730 = arith.select %gt3A_727, %broadcast_in_dim3A_729, %select_n3A_676 : vector<16xi1>, vector<16xi32>
        scf.yield %select_n3A_728, %select_n3A_730 : vector<16xf32>, vector<16xi32>
      }
      %scan3A_513 = arith.constant 20 : i32
      scf.yield %scan3A_512#0, %scan3A_512#1 : vector<16xf32>, vector<16xi32>
    }
    %scan3A_15 = arith.constant 100 : i32
    %eq3A = arith.constant 0 : i32
    %eq3A_16 = arith.cmpi eq, %arg1, %eq3A : i32
    %convert_element_type3A = arith.extui %eq3A_16 : i1 to i32
    %cond3A = arith.constant 0 : i32
    %cond3A_17 = arith.cmpi ne, %convert_element_type3A, %cond3A : i32
    scf.if %cond3A_17 {
      "tpu.region"() ({
        %run_scoped3A = tpu.sem_alloc : memref<!tpu.dma_semaphore, #tpu.memory_space<semaphore_mem>>
        tpu.enqueue_dma source(%arg16 : memref<1600xf32, #tpu.memory_space<vmem>>) target(%arg7 : memref<1600xf32, #tpu.memory_space<hbm>>) target_semaphore(%run_scoped3A : memref<!tpu.dma_semaphore, #tpu.memory_space<semaphore_mem>>)
        tpu.wait_dma2 semaphore(%run_scoped3A : memref<!tpu.dma_semaphore, #tpu.memory_space<semaphore_mem>>) src(%arg16 : memref<1600xf32, #tpu.memory_space<vmem>>) dst(%arg7 : memref<1600xf32, #tpu.memory_space<hbm>>)
        tpu.yield
      }) : () -> ()
    } else {
    }
    return
  }
}

</mosaic_0001>

<sc_bundles>
// kernel: _nms.3.cloned.1.call-start
scs
__scs_entry_jumppad:
0x0: {  	(pc) =	sbr.rel $0x88, $3  }
0x1: {  	(tag) =	ssettag $0x0;
	lr =	simm.s32 $0x1  }
0x2: {  	[smem:$0x3F9C] =	sst lr;
	_ =	strace $0xD0000000  }
0x3: {  	_ = 	snop  }
0x4: {  	_ = 	snop  }
0x5: {  	_ = 	snop  }
0x6: {  	_ = 	snop  }
0x7: {  	_ = 	snop  }
__scs_overlays_trampoline_lowered:
0x8: {  	[smem:$0x3FAB] =	sst s0  }
0x9: {  	[smem:$0x3FAC] =	sst s1  }
0xa: {  	[smem:$0x3FAD] =	sst s2  }
0xb: {  	[smem:$0x3FAE] =	sst s3  }
0xc: {  	[smem:$0x3FAF] =	sst s4  }
0xd: {  	[smem:$0x3FB0] =	sst s5  }
0xe: {  	[smem:$0x3FB1] =	sst s6  }
0xf: {  	[smem:$0x3FB2] =	sst s7  }
0x10: {  	[smem:$0x3FB3] =	sst s8  }
0x11: {  	[smem:$0x3FB4] =	sst s9;
	s0 =	simm.s32 @!p0 $0x0  }
0x12: {  	s1 =	sld [smem:$0x3F9A];
	s0 =	simm.s32 @p0 $0x1  }
0x13: {  	[smem:$0x3FB5] =	sst s0;
	s0 =	simm.s32 @!p1 $0x0  }
0x14: {  	s2 =	sld [smem:$0x3F99];
	s0 =	simm.s32 @p1 $0x1  }
0x15: {  	[smem:$0x3FB6] =	sst s0;
	s0 =	simm.s32 @!p2 $0x0  }
0x16: {  	s3 =	sld [smem:$0x3FDB];
	s0 =	simm.s32 @p2 $0x1  }
0x17: {  	s4 =	simm.s32 $0x1BF5;
	[smem:$0x3FB8] =	sst s0  }
0x18: {  	s0 =	sld [smem:$0x3F9B];
	_ =	swait.ge [sflag:s4], $0x0  }
0x19: {  	s7 =	sld [smem:$0x3F9C]  }
0x1a: {  	s8 =	sadd.s32 $0xFFFFE003, lr  }
0x1b: {  	s9 =	sadd.s32 $0xFFFFFEF7, lr;
	s5 =	simm.s32 $0xFFFFFFFF;
	p2 =	slt.u32 s8, $0xFFFFF086  }
0x1c: {  	p1 =	slt.u32 s9, $0xF7A;
	s5 =	simm.s32 @!p2 $0x0  }
0x1d: {  	s5 =	simm.s32 @p1 $0x1;
	p0 =	seq.s32 s7, s2  }
0x1e: {  	s7 =	smul.u32 @!p0 $0xF7A, s2;
	p2 =	seq.s32 @!p0 s5, $0x0  }
0x1f: {  	s9 =	smul.u32 $0xF7A, s1;
	s8 =	simm.s32 @!p0 $0x1BF5;
	p2 =	por !p2, p0  }
0x20: {  	[sflag:s8] =	ssyncset.s32 @!p0 $0xFFFFF086;
	s6 =	sadd.s32 @!p0 s3, s7;
	s7 =	simm.s32 @!p0 $0x108  }
0x21: {  	s3 =	sadd.s32 s3, s9;
	s6 =	sadd.s32 @!p0 $0x88, s6;
	s7 =	simm.s32 @p2 $0x1082  }
0x22: {  	[simem:s7], [sflag:s8] =	dma.local @!p0 [hbm:s6], $0xF7A  }
0x23: {  	s9 =	sor.u32 $0xD0000000, s2;
	s6 =	simm.s32 $0x108;
	_ =	swait.ge @!p0 [sflag:s8], $0x0  }
0x24: {  	s3 =	sadd.s32 $0x88, s3;
	s6 =	simm.s32 @!p1 $0x1082;
	[sflag:s4] =	ssyncset.s32 $0xFFFFF086  }
0x25: {  	[simem:s6], [sflag:s4] =	dma.local [hbm:s3], $0xF7A  }
0x26: {  	[smem:$0x3F9C] =	sst s1;
	(tag) =	ssettag s2;
	_ =	strace s9  }
0x27: {  	s1 =	sld [smem:$0x3FAC]  }
0x28: {  	s2 =	sld [smem:$0x3FAD]  }
0x29: {  	s4 =	sld [smem:$0x3FAF]  }
0x2a: {  	p0 =	seq.s32 s5, $0x0;
	s5 =	sld [smem:$0x3FB0]  }
0x2b: {  	s6 =	sld [smem:$0x3FB1]  }
0x2c: {  	s7 =	sld [smem:$0x3FB2]  }
0x2d: {  	s3 =	simm.s32 $0x108;
	s8 =	sld [smem:$0x3FB3]  }
0x2e: {  	s3 =	simm.s32 @!p0 $0x1082;
	s9 =	sld [smem:$0x3FB4]  }
0x2f: {  	lr =	sadd.s32 s0, s3;
	s0 =	sld [smem:$0x3FAB]  }
0x30: {  	s3 =	sld [smem:$0x3FAE]  }
0x31: {  	[smem:$0x3FB7] =	sst s10  }
0x32: {  	s10 =	sld [smem:$0x3FB5];
	_ =	sdelay $0x3  }
0x33: {  	p0 =	seq.s32 s10, $0x1;
	s10 =	sld [smem:$0x3FB7];
	_ =	sdelay $0x3  }
0x34: {  	[smem:$0x3FB7] =	sst s10  }
0x35: {  	s10 =	sld [smem:$0x3FB6];
	_ =	sdelay $0x3  }
0x36: {  	p1 =	seq.s32 s10, $0x1;
	s10 =	sld [smem:$0x3FB7];
	_ =	sdelay $0x3  }
0x37: {  	[smem:$0x3FB7] =	sst s10  }
0x38: {  	s10 =	sld [smem:$0x3FB8]  }
0x39: {  	_ = 	snop;
	(pc) =	sbr.ind lr, $3  }
0x3a: {  	_ = 	snop  }
0x3b: {  	_ = 	snop  }
0x3c: {  	p2 =	seq.s32 s10, $0x1;
	s10 =	sld [smem:$0x3FB7]  }
0x3d: {  	_ =	shalt  }
0x3e: {  	_ =	shalt  }
0x3f: {  	_ =	shalt  }
0x40: {  	_ =	shalt  }
0x41: {  	_ =	shalt  }
0x42: {  	_ =	shalt  }
0x43: {  	_ =	shalt  }
0x44: {  	_ =	shalt  }
0x45: {  	_ =	shalt  }
0x46: {  	_ =	shalt  }
0x47: {  	_ =	shalt  }
0x48: {  	_ =	shalt  }
0x49: {  	_ =	shalt  }
0x4a: {  	_ =	shalt  }
0x4b: {  	_ =	shalt  }
0x4c: {  	_ =	shalt  }
0x4d: {  	_ =	shalt  }
0x4e: {  	_ =	shalt  }
0x4f: {  	_ =	shalt  }
0x50: {  	_ =	shalt  }
0x51: {  	_ =	shalt  }
0x52: {  	_ =	shalt  }
0x53: {  	_ =	shalt  }
0x54: {  	_ =	shalt  }
0x55: {  	_ =	shalt  }
0x56: {  	_ =	shalt  }
0x57: {  	_ =	shalt  }
0x58: {  	_ =	shalt  }
0x59: {  	_ =	shalt  }
0x5a: {  	_ =	shalt  }
0x5b: {  	_ =	shalt  }
0x5c: {  	_ =	shalt  }
0x5d: {  	_ =	shalt  }
0x5e: {  	_ =	shalt  }
0x5f: {  	_ =	shalt  }
0x60: {  	_ =	shalt  }
0x61: {  	_ =	shalt  }
0x62: {  	_ =	shalt  }
0x63: {  	_ =	shalt  }
0x64: {  	_ =	shalt  }
0x65: {  	_ =	shalt  }
0x66: {  	_ =	shalt  }
0x67: {  	_ =	shalt  }
0x68: {  	_ =	shalt  }
0x69: {  	_ =	shalt  }
0x6a: {  	_ =	shalt  }
0x6b: {  	_ =	shalt  }
0x6c: {  	_ =	shalt  }
0x6d: {  	_ =	shalt  }
0x6e: {  	_ =	shalt  }
0x6f: {  	_ =	shalt  }
0x70: {  	_ =	shalt  }
0x71: {  	_ =	shalt  }
0x72: {  	_ =	shalt  }
0x73: {  	_ =	shalt  }
0x74: {  	_ =	shalt  }
0x75: {  	_ =	shalt  }
0x76: {  	_ =	shalt  }
0x77: {  	_ =	shalt  }
0x78: {  	_ =	shalt  }
0x79: {  	_ =	shalt  }
0x7a: {  	_ =	shalt  }
0x7b: {  	_ =	shalt  }
0x7c: {  	_ =	shalt  }
0x7d: {  	_ =	shalt  }
0x7e: {  	_ =	shalt  }
0x7f: {  	_ =	shalt  }
0x80: {  	_ =	shalt  }
0x81: {  	_ =	shalt  }
0x82: {  	_ =	shalt  }
0x83: {  	_ =	shalt  }
0x84: {  	_ =	shalt  }
0x85: {  	_ =	shalt  }
0x86: {  	_ =	shalt  }
0x87: {  	_ =	shalt  }
.Lfunc_end0:
.L_simem_size_0:
called_computation_lowered:
.L_overlay_start_0:
0x88: {  	s0 =	sld [smem:$0x3FD9]  }
0x89: {  	s1 =	sld [smem:$0x3FFE];
	_ =	sdelay $0x3  }
0x8a: {  	s0 =	sadd.s32 s1, s0  }
0x8b: {  	[smem:$0x3FC3] =	sst s0  }
0x8c: {  	_ = 	snop  }
0x8d: {  	s0 =	sld [smem:$0x3FC9]  }
0x8e: {  	s17 =	sld [smem:$0x3FC8]  }
0x8f: {  	s2 =	sld [smem:$0x3FC7]  }
0x90: {  	s3 =	sld [smem:$0x3FC6]  }
0x91: {  	s4 =	sld [smem:$0x3FC5]  }
0x92: {  	s5 =	sld [smem:$0x3FD0];
	(tm) =	ssettm $0x1  }
0x93: {  	s6 =	sld [smem:$0x3FFB];
	_ =	sdelay $0x3  }
0x94: {  	_ =	strace s6  }
0x95: {  	s6 =	sld [smem:$0x3FFC];
	_ =	sdelay $0x3  }
0x96: {  	_ =	strace s6  }
0x97: {  	s6 =	sld [smem:$0x3FFD];
	_ =	sdelay $0x3  }
0x98: {  	_ =	strace s6  }
0x99: {  	_ =	strace $0x8FFFFFFF  }
0x9a: {  	s18 =	sld [smem:$0x3FDB];
	_ =	sdelay $0x1  }
0x9b: {  	s7 =	simm.s32 $_scs_section_size  }
0x9c: {  	s8 =	simm.s32 $_size__tile_overlayer_lowered;
	s9 =	simm.s32 $_tile_overlayer_lowered  }
0x9d: {  	s21 =	simm.s32 $0x1BFF;
	s20 =	sshll.u32 s9, $0x1;
	s6 =	sadd.s32 s7, s18  }
0x9e: {  	s10 =	simm.s32 $0x0;
	s19 =	sshll.u32 s8, $0x1;
	s8 =	sadd.s32 s20, s6  }
0x9f: {  	[timem:s10], [sflag:s21] =	dma.local [hbm:s8], s19  }
0xa0: {  	_ =	swait.ge [sflag:s21], s19  }
0xa1: {  	s7 =	ssub.s32 $0x0, s19;
	[sflag:s21] =	ssyncset.done $0x0  }
0xa2: {  	[sflag:s21] =	ssyncadd.s32 s7;
	_ =	sdelay $0x1  }
0xa3: {  	s22 =	simm.s32 $0x1B8B  }
0xa4: {  	_ =	swait.ge [sflag:s22], $0x1  }
0xa5: {  	[sflag:s22] =	ssyncset.done $0x0  }
0xa6: {  	s23 =	simm.s32 $0x1B8E;
	[sflag:s22] =	ssyncadd.s32 $0xFFFFFFFF  }
0xa7: {  	s24 =	simm.s32 $execute0_lowered;
	[smem:$0x3FD2] =	sst s23  }
0xa8: {  	s7 =	sshll.u32 s24, $0x1;
	_ =	strace $0x80000046;
	[dreg:$0x1] =	wrdreg $0xFFFFFFFF  }
0xa9: {  	s25 =	simm.s32 $_size_execute0_lowered;
	s6 =	sadd.s32 s6, s7;
	[dreg:$0x0] =	wrdreg $0x0  }
0xaa: {  	s7 =	sshll.u32 s25, $0x1;
	[dreg:$0x2] =	wrdreg s6  }
0xab: {  	[dreg:$0x3] =	wrdreg s7  }
0xac: {  	[dreg:$0x4] =	wrdreg $0xC0  }
0xad: {  	_ =	task [dreg:s10], $0x5FFFF  }
0xae: {  	[dreg:$0x1] =	wrdreg $0xFFFFFFFF  }
0xaf: {  	[dreg:$0x0] =	wrdreg $0x60  }
0xb0: {  	[dreg:$0x2] =	wrdreg s0  }
0xb1: {  	[dreg:$0x3] =	wrdreg s17  }
0xb2: {  	[dreg:$0x4] =	wrdreg s2  }
0xb3: {  	[dreg:$0x5] =	wrdreg s3  }
0xb4: {  	[dreg:$0x6] =	wrdreg s4  }
0xb5: {  	[dreg:$0x7] =	wrdreg s5  }
0xb6: {  	[dreg:$0x8] =	wrdreg $0x26000  }
0xb7: {  	[dreg:$0x9] =	wrdreg $0x9  }
0xb8: {  	_ =	task.clear_ibuf [dreg:s10], $0xAFFFF;
	_ =	strace $0x90000046  }
0xb9: {  	s26 =	simm.s32 $0x9;
	_ =	strace $0x80000048  }
0xba: {  	_ =	swait.ge [sflag:s26], $0x1  }
0xbb: {  	[sflag:s26] =	ssyncadd.s32 $0xFFFFFFFF  }
0xbc: {  	_ =	strace $0x90000048  }
0xbd: {  	_ =	sfence  }
0xbe: {  	s28 =	sld [smem:$0x0];
	_ =	sdelay $0x1  }
0xbf: {  	s29 =	srdreg.scid  }
0xc0: {  	s30 =	sshll.u32 s29, $0xD;
	s31 =	sshrl.u32 s29, $0x2  }
0xc1: {  	s1 =	sand.u32 $0x1, s29;
	s2 =	sand.u32 $0x4000, s30;
	s0 =	sadd.s32 s31, s28  }
0xc2: {  	s1 =	sor.u32 s2, s1;
	s0 =	sshll.u32 s0, $0x11  }
0xc3: {  	s0 =	sor.u32 s0, s1  }
0xc4: {  	s0 =	sadd.s32 $0x8F2B, s0  }
0xc5: {  	[sflag:s0] =	ssyncadd.remote.s32 $0x1  }
0xc6: {  	_ =	sfence.sel $0xFFFF  }
0xc7: {  	[dreg:$0x0] =	wrdreg $0xFFFFFFFF;
	(pc) =	sbr.abs _section_cstart, $3  }
0xc8: {  	[dreg:$0x1] =	wrdreg $0xFFFFFFFF  }
0xc9: {  	_ =	task.clear_ibuf [dreg:s10], $0x2FFFF;
	_ =	strace $0x9FFFFFFF  }
0xca: {  	(tm) =	ssettm $0x7FFFFFFF  }
0xcb: {  	_ =	shalt  }
tec
execute0_lowered:
.L_overlay_start_1:
0x0: {  	(tag) =	ssettag $0x1  }
0x1: {  	s0 =	rddreg [dreg:$0x0]  }
0x2: {  	s1 =	rddreg [dreg:$0x1]  }
0x3: {  	s2 =	rddreg [dreg:$0x2];
	s5 =	stileid.u32  }
0x4: {  	s8 =	rddreg [dreg:$0x3];
	s3 =	smul.u32 $0x500, s5  }
0x5: {  	s9 =	rddreg [dreg:$0x4];
	s4 =	simm.s32 $0x0  }
0x6: {  	[smem:$0x7FF] =	sst s4;
	s10 =	sshrl.u32 s3, $0x3  }
0x7: {  	s25 =	simm.s32 $0x1;
	_ =	strace $0x80000047;
	s0 =	sadd.s32 s0, s10  }
0x8: {  	[tilespmem:s4], [sflag:$0x1] =	stream.linear.gather [hbm4b:s0+s4], $0x500, $0x38;
	[tilespmem:$0x2620] =	vst v63  }
0x9: {  	_ =	swait.ge [sflag:s25], $0x500  }
0xa: {  	[sflag:s25] =	ssyncset.done $0x0  }
0xb: {  	s6 =	simm.s32 $0x500;
	s1 =	sadd.s32 s1, s10;
	[sflag:s25] =	ssyncadd.s32 $0xFFFFFB00  }
0xc: {  	[tilespmem:s6], [sflag:$0x1] =	stream.linear.gather [hbm4b:s1+s4], $0x500, $0x38;
	[tilespmem:$0x2620] =	vst v63  }
0xd: {  	_ =	swait.ge [sflag:s25], $0x500  }
0xe: {  	[sflag:s25] =	ssyncset.done $0x0  }
0xf: {  	s7 =	simm.s32 $0xA00;
	s26 =	sadd.s32 s2, s10;
	[sflag:s25] =	ssyncadd.s32 $0xFFFFFB00  }
0x10: {  	[tilespmem:s7], [sflag:$0x1] =	stream.linear.gather [hbm4b:s26+s4], $0x500, $0x38;
	[tilespmem:$0x2620] =	vst v63  }
0x11: {  	_ =	swait.ge [sflag:s25], $0x500  }
0x12: {  	[sflag:s25] =	ssyncset.done $0x0  }
0x13: {  	s28 =	sadd.s32 s8, s10;
	s8 =	simm.s32 $0xF00;
	[sflag:s25] =	ssyncadd.s32 $0xFFFFFB00  }
0x14: {  	[tilespmem:s8], [sflag:$0x1] =	stream.linear.gather [hbm4b:s28+s4], $0x500, $0x38;
	[tilespmem:$0x2620] =	vst v63  }
0x15: {  	_ =	swait.ge [sflag:s25], $0x500  }
0x16: {  	[sflag:s25] =	ssyncset.done $0x0  }
0x17: {  	s30 =	simm.s32 $0x1900;
	s29 =	sadd.s32 s9, s10;
	[sflag:s25] =	ssyncadd.s32 $0xFFFFFB00  }
0x18: {  	[tilespmem:s30], [sflag:$0x1] =	stream.linear.gather [hbm4b:s29+s4], $0x500, $0x38;
	[tilespmem:$0x2620] =	vst v63  }
0x19: {  	_ =	swait.ge [sflag:s25], $0x500  }
0x1a: {  	[sflag:s25] =	ssyncset.done $0x0  }
0x1b: {  	[sflag:s25] =	ssyncadd.s32 $0xFFFFFB00  }
0x1c: {  	v0 =	vld [tilespmem:s4+$0x0]  }
0x1d: {  	v1 =	vld [tilespmem:s8+$0x0]  }
0x1e: {  	v2 =	vld [tilespmem:s7+$0x0]  }
0x1f: {  	v3 =	vld [tilespmem:s6+$0x0];
	_ =	sdelay $0x4  }
0x20: {  	v0 =	vsub.f32 v2, v0;
	v1 =	vsub.f32 v1, v3;
	_ =	sdelay $0x1  }
0x21: {  	v0 =	vmax.f32 v0, $0.0e+00;
	v1 =	vmax.f32 v1, $0.0e+00  }
0x22: {  	v0 =	vmul.f32 v1, v0  }
0x23: {  	s31 =	simm.s32 $0x1400  }
0x24: {  	[tilespmem:s31+$0x0] =	vst v0  }
0x25: {  	v1 =	vld [tilespmem:s30+$0x0];
	_ =	sdelay $0x4  }
0x26: {  	vm0 =	vgt.f32 v1, $5.000000070e-02  }
0x27: {  	s2 =	simm.s32 $0x1410;
	v0 =	vimm.f32 $-Inf;
	v2 =	vnsel vm0, $0xFF800000, v1  }
0x28: {  	s9 =	simm.s32 $0x1910;
	s0 =	simm.s32 $0x1;
	s1 =	simm.s32 $0x10;
	v1 =	vimm.s32 $0x0;
	[tilespmem:s30+$0x0] =	vst v2;
	vm0 =	vgt.f32 v2, v0  }
.LBB2_1:
0x29: {  	v3 =	vld [tilespmem:s1+$0x0];
	v0 =	vsel vm0, v2, v0;
	v1 =	vsel vm0, s4, v1;
	s6 =	sadd.s32 $0x10, s6;
	s7 =	sadd.s32 $0x10, s7;
	s8 =	sadd.s32 $0x10, s8  }
0x2a: {  	p0 =	sne.s32 s0, $0x4F;
	s4 =	smov.u32 s0;
	s0 =	sadd.s32 $0x1, s0;
	v2 =	vld [tilespmem:s8+$0x0]  }
0x2b: {  	v4 =	vld [tilespmem:s7+$0x0]  }
0x2c: {  	v5 =	vld [tilespmem:s6+$0x0];
	_ =	sdelay $0x3  }
0x2d: {  	v3 =	vsub.f32 v4, v3  }
0x2e: {  	v2 =	vsub.f32 v2, v5  }
0x2f: {  	v3 =	vmax.f32 v3, $0.0e+00  }
0x30: {  	v2 =	vmax.f32 v2, $0.0e+00  }
0x31: {  	v2 =	vmul.f32 v2, v3;
	_ =	sdelay $0x1  }
0x32: {  	[tilespmem:s2+$0x0] =	vst v2  }
0x33: {  	v2 =	vld [tilespmem:s9+$0x0];
	_ =	sdelay $0x2  }
.Ltmp0:
0x34: {  	(pc) =	sbr.rel @p0 .LBB2_1-.Ltmp0, $4  }
0x35: {  	_ = 	snop  }
0x36: {  	vm0 =	vgt.f32 v2, $5.000000070e-02  }
0x37: {  	v2 =	vnsel vm0, $0xFF800000, v2  }
0x38: {  	s1 =	sadd.s32 $0x10, s1;
	s2 =	sadd.s32 $0x10, s2;
	[tilespmem:s9+$0x0] =	vst v2;
	vm0 =	vgt.f32 v2, v0;
	s9 =	sadd.s32 $0x10, s9  }
0x39: {  	v2 =	vsel vm0, v2, v0;
	v1 =	vsel vm0, s4, v1;
	v0 =	vlaneseq.u32  }
0x3a: {  	s0 =	sshll.u32 s5, $0x6;
	vm6 =	vmmov $0x1;
	vm7 =	vcmask $0x1318;
	p0 =	sne.s32 s5, $0x0;
	vm8 =	vcmask $0x308  }
0x3b: {  	vm9 =	vcmask $0x70C;
	vm10 =	vcmask $0xB10;
	vm11 =	vcmask $0xF14;
	s8 =	sshrl.u32 s0, $0x2;
	s0 =	simm.s32 @!p0 $0x0  }
0x3c: {  	s10 =	simm.s32 $0x1;
	v0 =	vor.u32 s3, v0;
	vm12 =	vcmask @!p0 $0x1310;
	vm13 =	vcmask @!p0 $0xF0C;
	s0 =	simm.s32 @p0 $0x1  }
0x3d: {  	s11 =	simm.s32 $0x1E80;
	s12 =	simm.s32 $0x0;
	vm14 =	vcmask @!p0 $0x3F0C;
	vm15 =	vcmask @!p0 $0x3F08;
	vm0 =	vcmask @!p0 $0x3F04;
	[smem:$0x7FD] =	sst s0  }
.LBB2_3:
0x3e: {  	(xrf0) =	vmax.scan.msk.f32 $0xffff, v2;
	_ =	sdelay $0x5  }
0x3f: {  	v3, _, _ =	vpop (xrf0)  }
0x40: {  	v1 =	vshll.u32 v1, $0x4;
	v3 =	vbroadcast v3, $0xF  }
0x41: {  	v1 =	vadd.s32 v1, v0  }
0x42: {  	v1 =	vxor.u32 $0x80000000, v1;
	vm1 =	veq.f32 v2, v3  }
0x43: {  	v1 =	vnsel vm1, $0xFFFFFFFF, v1  }
0x44: {  	(xrf0) =	vmin.scan.msk.u32 $0xffff, v1;
	_ =	sdelay $0x5  }
0x45: {  	v1, _, _ =	vpop (xrf0)  }
0x46: {  	(v2sf) =	vpush v1, $0xF;
	_ =	sdelay $0xe  }
0x47: {  	s0 =	spop (v2sf)  }
0x48: {  	s0 =	sxor.u32 $0x80000000, s0  }
0x49: {  	s1 =	ssub.s32 s0, s3  }
0x4a: {  	v1 =	vmov s1;
	_ =	sdelay $0x3  }
0x4b: {  	s24 =	simm.s32 $0xF00  }
0x4c: {  	s25 =	simm.s32 $0xA00;
	v2 =	vld.idx.msk [tilespmem:v1+s24+$0x0], $0xffff  }
0x4d: {  	s26 =	simm.s32 $0x500;
	v5 =	vmov s0;
	v4 =	vld.idx.msk [tilespmem:v1+s25+$0x0], $0xffff  }
0x4e: {  	s28 =	simm.s32 $0x0;
	v5 =	vcvt.s32.f32 v5;
	v6 =	vld.idx.msk [tilespmem:v1+s26+$0x0], $0xffff  }
0x4f: {  	vm1 =	vcmask $0x3F18;
	v1 =	vld.idx.msk [tilespmem:v1+s28+$0x0], $0xffff  }
0x50: {  	v5 =	vsel vm1, $0x0, v5;
	vm1 =	vcmask $0x3F14  }
0x51: {  	v2 =	vsel vm1, v5, v2;
	vm1 =	vcmask $0x3F10  }
0x52: {  	v2 =	vsel vm1, v2, v4;
	vm1 =	vcmask $0x3F0C  }
0x53: {  	s29 =	sshll.u32 s12, $0x8;
	v2 =	vsel vm1, v2, v6;
	vm1 =	vcmask $0x3F08  }
0x54: {  	s30 =	rddreg [dreg:$0x6];
	s0 =	sand.u32 $0x100, s29;
	v1 =	vsel vm1, v2, v1;
	vm1 =	vcmask $0x3F04  }
0x55: {  	s0 =	sadd.s32 s0, s30;
	v1 =	vsel vm1, v1, v3  }
0x56: {  	s2 =	simm.s32 $0x1E00;
	s1 =	sadd.s32 s8, s0;
	[tilespmem:$0x1E00] =	vst v1  }
0x57: {  	[spmem:s1] =	stream.linear.scatter [tilespmem:s2], [sflag:$0x1], $0x10, $0x38;
	[tilespmem:$0x2620] =	vst v63  }
0x58: {  	_ =	swait.ge [sflag:s10], $0x10  }
0x59: {  	[sflag:s10] =	ssyncset.done $0x0  }
0x5a: {  	[sflag:s10] =	ssyncadd.s32 $0xFFFFFFF0  }
0x5b: {  	[bflag:$0x0] =	sbarrier.arrive $0xFFFF  }
0x5c: {  	[tilespmem:s11], [sflag:$0x1] =	stream.linear.gather [spmem:s0], $0x100, $0x38;
	[tilespmem:$0x2620] =	vst v63  }
0x5d: {  	_ =	swait.ge [sflag:s10], $0x100  }
0x5e: {  	[sflag:s10] =	ssyncset.done $0x0  }
0x5f: {  	[sflag:s10] =	ssyncadd.s32 $0xFFFFFF00  }
0x60: {  	v1 =	vld [tilespmem:$0x1E80];
	_ =	sdelay $0x1  }
0x61: {  	v2 =	vld [tilespmem:$0x1E90];
	_ =	sdelay $0x1  }
0x62: {  	v3 =	vld [tilespmem:$0x1EA0]  }
0x63: {  	v4 =	vnsel vm6, $0xFF800000, v1  }
0x64: {  	v5 =	vsel vm7, $0xBF800000, v1;
	(xrf0) =	vmax.scan.msk.f32 $0xffff, v4;
	v4 =	vld [tilespmem:$0x1EB0]  }
0x65: {  	(xrf0) =	vmax.scan.msk.f32 $0xffff, v5;
	v5 =	vnsel vm6, $0xFF800000, v2  }
0x66: {  	v6 =	vsel vm7, $0xBF800000, v2;
	(xrf0) =	vmax.scan.msk.f32 $0xffff, v5;
	v5 =	vld [tilespmem:$0x1EC0]  }
0x67: {  	(xrf0) =	vmax.scan.msk.f32 $0xffff, v6;
	v6 =	vnsel vm6, $0xFF800000, v3  }
0x68: {  	v7 =	vsel vm7, $0xBF800000, v3;
	(xrf0) =	vmax.scan.msk.f32 $0xffff, v6;
	v6 =	vld [tilespmem:$0x1ED0]  }
0x69: {  	(xrf0) =	vmax.scan.msk.f32 $0xffff, v7;
	v7 =	vnsel vm6, $0xFF800000, v4  }
0x6a: {  	v9 =	vsel vm7, $0xBF800000, v4;
	v8, _, _ =	vpop (xrf0);
	(xrf0) =	vmax.scan.msk.f32 $0xffff, v7;
	v7 =	vld [tilespmem:$0x1EE0]  }
0x6b: {  	(v2sf) =	vpush v8, $0xF;
	v8, _, _ =	vpop (xrf0);
	(xrf0) =	vmax.scan.msk.f32 $0xffff, v9;
	v9 =	vnsel vm6, $0xFF800000, v5  }
0x6c: {  	(v2sf) =	vpush v8, $0xF;
	v10, _, _ =	vpop (xrf0);
	(xrf0) =	vmax.scan.msk.f32 $0xffff, v9;
	v9 =	vsel vm7, $0xBF800000, v5;
	v8 =	vld [tilespmem:$0x1EF0]  }
0x6d: {  	(v2sf) =	vpush v10, $0xF;
	v10, _, _ =	vpop (xrf0);
	(xrf0) =	vmax.scan.msk.f32 $0xffff, v9;
	v9 =	vnsel vm6, $0xFF800000, v6  }
0x6e: {  	v11 =	vsel vm7, $0xBF800000, v6;
	(v2sf) =	vpush v10, $0xF;
	v10, _, _ =	vpop (xrf0);
	(xrf0) =	vmax.scan.msk.f32 $0xffff, v9  }
0x6f: {  	v9 =	vld [tilespmem:$0x1F00];
	(v2sf) =	vpush v10, $0xF;
	v10, _, _ =	vpop (xrf0);
	(xrf0) =	vmax.scan.msk.f32 $0xffff, v11;
	v11 =	vnsel vm6, $0xFF800000, v7  }
0x70: {  	(v2sf) =	vpush v10, $0xF;
	v12, _, _ =	vpop (xrf0);
	(xrf0) =	vmax.scan.msk.f32 $0xffff, v11;
	v11 =	vsel vm7, $0xBF800000, v7  }
0x71: {  	v10 =	vld [tilespmem:$0x1F10];
	(v2sf) =	vpush v12, $0xF;
	v12, _, _ =	vpop (xrf0);
	(xrf0) =	vmax.scan.msk.f32 $0xffff, v11;
	v11 =	vnsel vm6, $0xFF800000, v8  }
0x72: {  	(v2sf) =	vpush v12, $0xF;
	v12, _, _ =	vpop (xrf0);
	(xrf0) =	vmax.scan.msk.f32 $0xffff, v11;
	v11 =	vld [tilespmem:$0x1F20]  }
0x73: {  	v13 =	vsel vm7, $0xBF800000, v8  }
0x74: {  	(v2sf) =	vpush v12, $0xF;
	v12, _, _ =	vpop (xrf0);
	(xrf0) =	vmax.scan.msk.f32 $0xffff, v13;
	v13 =	vnsel vm6, $0xFF800000, v9  }
0x75: {  	(v2sf) =	vpush v12, $0xF;
	v12, _, _ =	vpop (xrf0);
	(xrf0) =	vmax.scan.msk.f32 $0xffff, v13;
	v13 =	vsel vm7, $0xBF800000, v9  }
0x76: {  	(v2sf) =	vpush v12, $0xF;
	v14, _, _ =	vpop (xrf0);
	(xrf0) =	vmax.scan.msk.f32 $0xffff, v13;
	v13 =	vnsel vm6, $0xFF800000, v10;
	v12 =	vld [tilespmem:$0x1F30]  }
0x77: {  	(v2sf) =	vpush v14, $0xF;
	v14, _, _ =	vpop (xrf0);
	(xrf0) =	vmax.scan.msk.f32 $0xffff, v13;
	v13 =	vsel vm7, $0xBF800000, v10;
	v15 =	vnsel vm6, $0xFF800000, v11  }
0x78: {  	(v2sf) =	vpush v14, $0xF;
	v14, _, _ =	vpop (xrf0);
	(xrf0) =	vmax.scan.msk.f32 $0xffff, v13;
	v13 =	vld [tilespmem:$0x1F40]  }
0x79: {  	(v2sf) =	vpush v14, $0xF;
	v14, _, _ =	vpop (xrf0);
	(xrf0) =	vmax.scan.msk.f32 $0xffff, v15  }
0x7a: {  	v16 =	vsel vm7, $0xBF800000, v11;
	(v2sf) =	vpush v14, $0xF;
	v14 =	vld [tilespmem:$0x1F50];
	v15, _, _ =	vpop (xrf0)  }
0x7b: {  	s13 =	spop (v2sf);
	(xrf0) =	vmax.scan.msk.f32 $0xffff, v16;
	v16 =	vnsel vm6, $0xFF800000, v12;
	(v2sf) =	vpush v15, $0xF;
	v15, _, _ =	vpop (xrf0)  }
0x7c: {  	s14 =	spop (v2sf);
	(xrf0) =	vmax.scan.msk.f32 $0xffff, v16;
	v16 =	vsel vm7, $0xBF800000, v12;
	(v2sf) =	vpush v15, $0xF;
	v15, _, _ =	vpop (xrf0)  }
0x7d: {  	s5 =	spop (v2sf);
	(v2sf) =	vpush v15, $0xF;
	v15, _, _ =	vpop (xrf0);
	(xrf0) =	vmax.scan.msk.f32 $0xffff, v16;
	v16 =	vnsel vm6, $0xFF800000, v13  }
0x7e: {  	s6 =	spop (v2sf);
	(v2sf) =	vpush v15, $0xF;
	v15, _, _ =	vpop (xrf0);
	(xrf0) =	vmax.scan.msk.f32 $0xffff, v16;
	v16 =	vsel vm7, $0xBF800000, v13  }
0x7f: {  	s18 =	spop (v2sf);
	(v2sf) =	vpush v15, $0xF;
	v15, _, _ =	vpop (xrf0);
	(xrf0) =	vmax.scan.msk.f32 $0xffff, v16;
	v16 =	vnsel vm6, $0xFF800000, v14  }
0x80: {  	s19 =	spop (v2sf)  }
0x81: {  	(v2sf) =	vpush v15, $0xF;
	v15, _, _ =	vpop (xrf0);
	s1 =	spop (v2sf)  }
0x82: {  	v17 =	vsel vm7, $0xBF800000, v14;
	(xrf0) =	vmax.scan.msk.f32 $0xffff, v16;
	s28 =	spop (v2sf);
	(v2sf) =	vpush v15, $0xF;
	v16, _, _ =	vpop (xrf0)  }
0x83: {  	s16 =	spop (v2sf);
	(v2sf) =	vpush v16, $0xF;
	v16, _, _ =	vpop (xrf0);
	(xrf0) =	vmax.scan.msk.f32 $0xffff, v17  }
0x84: {  	s17 =	spop (v2sf)  }
0x85: {  	v15 =	vld [tilespmem:$0x1F60];
	s2 =	spop (v2sf)  }
0x86: {  	(v2sf) =	vpush v16, $0xF;
	v16, _, _ =	vpop (xrf0);
	s29 =	spop (v2sf)  }
0x87: {  	(v2sf) =	vpush v16, $0xF;
	v16, _, _ =	vpop (xrf0);
	s21 =	spop (v2sf)  }
0x88: {  	(v2sf) =	vpush v16, $0xF;
	v16, _, _ =	vpop (xrf0);
	s22 =	spop (v2sf)  }
0x89: {  	(v2sf) =	vpush v16, $0xF;
	s30 =	spop (v2sf);
	v17, _, _ =	vpop (xrf0)  }
0x8a: {  	v16 =	vnsel vm6, $0xFF800000, v15;
	s31 =	spop (v2sf);
	(v2sf) =	vpush v17, $0xF  }
0x8b: {  	(xrf0) =	vmax.scan.msk.f32 $0xffff, v16;
	v16 =	vld [tilespmem:$0x1F70];
	_ =	sdelay $0x2  }
0x8c: {  	p0 =	seq.f32 s5, s13;
	s15 =	spop (v2sf)  }
0x8d: {  	p1 =	slt.f32 s6, s14;
	v17 =	vsel vm7, $0xBF800000, v15;
	s20 =	spop (v2sf)  }
0x8e: {  	(xrf0) =	vmax.scan.msk.f32 $0xffff, v17;
	s4 =	spop (v2sf);
	v17 =	vnsel vm6, $0xFF800000, v16  }
0x8f: {  	p2 =	sgt.f32 s5, s13;
	p0 =	por !p0, !p1;
	s0 =	spop (v2sf);
	(xrf0) =	vmax.scan.msk.f32 $0xffff, v17;
	v17 =	vsel vm7, $0xBF800000, v16  }
0x90: {  	p0 =	por !p0, !p0;
	p1 =	seq.f32 s1, s18;
	v18, _, _ =	vpop (xrf0);
	s25 =	spop (v2sf);
	(xrf0) =	vmax.scan.msk.f32 $0xffff, v17  }
0x91: {  	p4 =	sgt.f32 s1, s18;
	p0 =	por p2, p0;
	s26 =	spop (v2sf)  }
0x92: {  	p2 =	slt.f32 s28, s19;
	s24 =	simm.s32 @!p0 $0x0;
	s7 =	spop (v2sf)  }
0x93: {  	s13 =	smov.u32 @p0 s5;
	s14 =	smov.u32 @p0 s6;
	(v2sf) =	vpush v18, $0xF;
	s9 =	spop (v2sf)  }
0x94: {  	s24 =	simm.s32 @p0 $0x1;
	p0 =	por !p1, !p2;
	v17, _, _ =	vpop (xrf0);
	s23 =	spop (v2sf)  }
0x95: {  	[smem:$0x7F3] =	sst s24;
	p0 =	por !p0, !p0;
	(v2sf) =	vpush v17, $0xF;
	v17, _, _ =	vpop (xrf0);
	s24 =	spop (v2sf)  }
0x96: {  	p4 =	por p4, p0;
	(v2sf) =	vpush v17, $0xF;
	v17, _, _ =	vpop (xrf0);
	s5 =	spop (v2sf)  }
0x97: {  	(v2sf) =	vpush v17, $0xF;
	s6 =	spop (v2sf);
	[smem:$0x7F2] =	sst s0;
	s0 =	simm.s32 @!p4 $0x0  }
0x98: {  	p5 =	seq.f32 s2, s16;
	p3 =	slt.f32 s29, s17;
	s0 =	simm.s32 @p4 $0x1  }
0x99: {  	[smem:$0x7F4] =	sst s0  }
0x9a: {  	p6 =	sgt.f32 s2, s16;
	p2 =	por !p5, !p3;
	s0 =	sld [smem:$0x7F2]  }
0x9b: {  	p2 =	por !p2, !p2;
	p3 =	seq.f32 s30, s21;
	p5 =	slt.f32 s31, s22  }
0x9c: {  	p0 =	sgt.f32 s30, s21;
	p6 =	por p6, p2  }
0x9d: {  	p5 =	por !p3, !p5;
	p2 =	seq.f32 s4, s15;
	p3 =	slt.f32 s0, s20  }
0x9e: {  	p1 =	por !p5, !p5  }
0x9f: {  	p5 =	por p0, p1;
	p0 =	sgt.f32 s4, s15;
	p3 =	por !p2, !p3  }
0xa0: {  	p1 =	por !p3, !p3  }
0xa1: {  	s18 =	smov.u32 @p4 s1;
	p0 =	por p0, p1  }
0xa2: {  	s1 =	spop (v2sf);
	[smem:$0x7F2] =	sst s3;
	s3 =	simm.s32 @!p0 $0x0  }
0xa3: {  	s3 =	simm.s32 @p0 $0x1  }
0xa4: {  	[smem:$0x7F7] =	sst s3  }
0xa5: {  	s19 =	smov.u32 @p4 s28;
	s3 =	sld [smem:$0x7F2]  }
0xa6: {  	s28 =	spop (v2sf);
	[smem:$0x7F2] =	sst s2;
	s2 =	simm.s32 @!p6 $0x0  }
0xa7: {  	p2 =	seq.f32 s7, s25;
	p3 =	slt.f32 s9, s26;
	s2 =	simm.s32 @p6 $0x1  }
0xa8: {  	[smem:$0x7F5] =	sst s2  }
0xa9: {  	p1 =	por !p2, !p3;
	p2 =	sgt.f32 s7, s25;
	s2 =	sld [smem:$0x7F2]  }
0xaa: {  	p0 =	por !p1, !p1  }
0xab: {  	p4 =	slt.f32 s6, s24;
	p0 =	por p2, p0  }
0xac: {  	p3 =	seq.f32 s5, s23;
	s16 =	smov.u32 @p6 s2;
	s2 =	simm.s32 @!p0 $0x0  }
0xad: {  	s17 =	smov.u32 @p6 s29;
	s21 =	smov.u32 @p5 s30;
	s2 =	simm.s32 @p0 $0x1  }
0xae: {  	p1 =	por !p3, !p4;
	[smem:$0x7F8] =	sst s2;
	s2 =	spop (v2sf)  }
0xaf: {  	s29 =	spop (v2sf);
	[smem:$0x7F2] =	sst s0;
	s0 =	simm.s32 @!p5 $0x0  }
0xb0: {  	p2 =	sgt.f32 s5, s23;
	p3 =	seq.f32 s2, s1;
	s0 =	simm.s32 @p5 $0x1  }
0xb1: {  	p0 =	por !p1, !p1;
	p4 =	slt.f32 s29, s28;
	[smem:$0x7F6] =	sst s0  }
0xb2: {  	s22 =	smov.u32 @p5 s31;
	p6 =	por p2, p0;
	s0 =	sld [smem:$0x7F2]  }
0xb3: {  	p5 =	sgt.f32 s2, s1;
	p3 =	por !p3, !p4;
	s31 =	sld [smem:$0x7F7]  }
0xb4: {  	p2 =	seq.f32 s18, s13;
	p0 =	por !p3, !p3;
	p3 =	slt.f32 s19, s14  }
0xb5: {  	s23 =	smov.u32 @p6 s5;
	p5 =	por p5, p0  }
0xb6: {  	p3 =	por !p2, !p3;
	p2 =	seq.f32 s21, s16;
	p4 =	seq.s32 s31, $0x1  }
0xb7: {  	s15 =	smov.u32 @p4 s4;
	s20 =	smov.u32 @p4 s0;
	p4 =	sgt.f32 s18, s13  }
0xb8: {  	p0 =	por !p3, !p3;
	p3 =	slt.f32 s22, s17;
	s4 =	sld [smem:$0x7F8]  }
0xb9: {  	s24 =	smov.u32 @p6 s6;
	s1 =	smov.u32 @p5 s2;
	p0 =	por p4, p0  }
0xba: {  	s28 =	smov.u32 @p5 s29;
	p2 =	por !p2, !p3;
	s0 =	simm.s32 @!p0 $0x0  }
0xbb: {  	p3 =	sgt.f32 s21, s16;
	p1 =	seq.s32 s4, $0x1;
	s0 =	simm.s32 @p0 $0x1  }
0xbc: {  	s25 =	smov.u32 @p1 s7;
	s26 =	smov.u32 @p1 s9;
	[smem:$0x7FB] =	sst s0  }
0xbd: {  	p1 =	seq.f32 s25, s15;
	p4 =	slt.f32 s26, s20;
	s0 =	simm.s32 @!p6 $0x0  }
0xbe: {  	p2 =	por !p2, !p2;
	s0 =	simm.s32 @p6 $0x1;
	s9 =	sld [smem:$0x7FB]  }
0xbf: {  	p6 =	sgt.f32 s25, s15;
	[smem:$0x7F9] =	sst s0;
	p0 =	por !p1, !p4  }
0xc0: {  	s0 =	simm.s32 @!p5 $0x0;
	p4 =	seq.f32 s1, s23;
	p1 =	slt.f32 s28, s24  }
0xc1: {  	s0 =	simm.s32 @p5 $0x1;
	p0 =	por !p0, !p0;
	p5 =	por p3, p2  }
0xc2: {  	[smem:$0x7FA] =	sst s0;
	p6 =	por p6, p0;
	p2 =	seq.s32 s9, $0x1  }
0xc3: {  	p3 =	por !p4, !p1;
	p4 =	sgt.f32 s1, s23;
	s0 =	simm.s32 @!p5 $0x0  }
0xc4: {  	s16 =	smov.u32 @p5 s21;
	s17 =	smov.u32 @p5 s22;
	s13 =	smov.u32 @p2 s18  }
0xc5: {  	s14 =	smov.u32 @p2 s19;
	s0 =	simm.s32 @p5 $0x1;
	p0 =	por !p3, !p3  }
0xc6: {  	p3 =	por p4, p0;
	p1 =	seq.f32 s16, s13;
	p4 =	slt.f32 s17, s14  }
0xc7: {  	s15 =	smov.u32 @p6 s25;
	s20 =	smov.u32 @p6 s26;
	p2 =	sgt.f32 s16, s13  }
0xc8: {  	s23 =	smov.u32 @p3 s1;
	s24 =	smov.u32 @p3 s28;
	p1 =	por !p1, !p4  }
0xc9: {  	p0 =	seq.f32 s23, s15;
	p5 =	slt.f32 s24, s20;
	p1 =	por !p1, !p1  }
0xca: {  	s21 =	sld [smem:$0x7F8];
	p1 =	por p2, p1  }
0xcb: {  	p0 =	por !p0, !p5;
	s13 =	smov.u32 @p1 s16;
	s16 =	sld [smem:$0x7F3]  }
0xcc: {  	p5 =	sgt.f32 s23, s15;
	s14 =	smov.u32 @p1 s17;
	s17 =	sld [smem:$0x7F4]  }
0xcd: {  	s18 =	sld [smem:$0x7F5];
	p0 =	por !p0, !p0  }
0xce: {  	s19 =	sld [smem:$0x7F6];
	p0 =	por p5, p0  }
0xcf: {  	s20 =	smov.u32 @p0 s24;
	p5 =	seq.s32 s16, $0x1;
	p4 =	seq.s32 s17, $0x1  }
0xd0: {  	v1 =	vpsel p5, v2, v1;
	v2 =	vpsel p4, v4, v3;
	p4 =	slt.f32 s20, s14;
	s20 =	sld [smem:$0x7F7]  }
0xd1: {  	s22 =	sld [smem:$0x7F9];
	p5 =	seq.s32 s18, $0x1  }
0xd2: {  	[smem:$0x7FC] =	sst s0;
	v3 =	vpsel p5, v6, v5;
	p5 =	seq.s32 s19, $0x1  }
0xd3: {  	s15 =	smov.u32 @p0 s23;
	s23 =	sld [smem:$0x7FA];
	v4 =	vpsel p5, v8, v7;
	p5 =	seq.s32 s20, $0x1  }
0xd4: {  	s24 =	sld [smem:$0x7FB];
	v5 =	vpsel p5, v10, v9;
	p5 =	seq.s32 s21, $0x1  }
0xd5: {  	s25 =	sld [smem:$0x7FC];
	v6 =	vpsel p5, v12, v11;
	p5 =	seq.s32 s22, $0x1  }
0xd6: {  	p2 =	seq.f32 s15, s13;
	v7 =	vpsel p5, v14, v13;
	p5 =	seq.s32 s23, $0x1  }
0xd7: {  	v8 =	vpsel p5, v16, v15;
	p5 =	seq.s32 s24, $0x1  }
0xd8: {  	p2 =	por !p2, !p4;
	p4 =	sgt.f32 s15, s13;
	v1 =	vpsel p5, v2, v1;
	p5 =	seq.s32 s25, $0x1  }
0xd9: {  	p2 =	por !p2, !p2;
	v2 =	vpsel p5, v4, v3;
	v3 =	vpsel p6, v6, v5;
	v4 =	vpsel p3, v8, v7  }
0xda: {  	p6 =	por p4, p2;
	v1 =	vpsel p1, v2, v1;
	v2 =	vpsel p0, v4, v3  }
0xdb: {  	v1 =	vpsel p6, v2, v1  }
0xdc: {  	v2 =	vsel vm8, $0xFF800000, v1  }
0xdd: {  	(xrf0) =	vmax.scan.msk.f32 $0xffff, v2;
	v2 =	vsel vm9, $0xFF800000, v1  }
0xde: {  	(xrf0) =	vmax.scan.msk.f32 $0xffff, v2;
	v2 =	vsel vm10, $0xFF800000, v1  }
0xdf: {  	v1 =	vsel vm11, $0xFF800000, v1;
	(xrf0) =	vmax.scan.msk.f32 $0xffff, v2  }
0xe0: {  	(xrf0) =	vmax.scan.msk.f32 $0xffff, v1  }
0xe1: {  	s26 =	sld [smem:$0x7FD];
	_ =	sdelay $0x1  }
0xe2: {  	v1, _, _ =	vpop (xrf0)  }
0xe3: {  	p1 =	seq.s32 s26, $0x1;
	v3, _, _ =	vpop (xrf0)  }
0xe4: {  	p0 =	por !p6, p1;
	v2, _, _ =	vpop (xrf0)  }
0xe5: {  	s15 =	smov.u32 @p0 s13;
	v4, _, _ =	vpop (xrf0)  }
0xe6: {  	v6 =	vmov @!p1 s15;
	(v2sf) =	vpush v1, $0xF;
	v5 =	vbroadcast @!p1 v4, $0xF  }
0xe7: {  	v6 =	vnsel @!p1 vm12, $0x0, v6;
	(v2sf) =	vpush v3, $0xF;
	v7 =	vbroadcast @!p1 v2, $0xF  }
0xe8: {  	v8 =	vbroadcast @!p1 v3, $0xF;
	(v2sf) =	vpush v2, $0xF;
	v5 =	vsel @!p1 vm13, v5, v6  }
0xe9: {  	p0 =	sgt.f32 @!p1 s15, $-Inf;
	(v2sf) =	vpush v4, $0xF;
	v6 =	vbroadcast @!p1 v1, $0xF;
	v5 =	vsel @!p1 vm14, v5, v7  }
0xea: {  	v5 =	vsel @!p1 vm15, v5, v8  }
0xeb: {  	s0 =	sshll.u32 @!p1 s12, $0x4;
	p0 =	por !p0, p1;
	v5 =	vsel @!p1 vm0, v5, v6  }
0xec: {  	s0 =	sand.u32 @!p1 $0x3FFFFFF0, s0;
	v5 =	vpsel p0, $0x0, v5  }
0xed: {  	s13 =	simm.s32 $0x0;
	[tilespmem:s0+$0x1F80] =	vst @!p1 v5  }
0xee: {  	v6 =	vld [tilespmem:s13+$0xF10]  }
0xef: {  	v7 =	vld [tilespmem:s13+$0xA10]  }
0xf0: {  	v8 =	vld [tilespmem:s13+$0xF00]  }
0xf1: {  	v9 =	vld [tilespmem:s13+$0xA00]  }
0xf2: {  	v10 =	vld [tilespmem:s13+$0x510]  }
0xf3: {  	v11 =	vld [tilespmem:s13+$0x0]  }
0xf4: {  	v12 =	vld [tilespmem:s13+$0x10]  }
0xf5: {  	v13 =	vld [tilespmem:s13+$0x500];
	s28 =	spop (v2sf)  }
0xf6: {  	v2 =	vbroadcast v2, $0xF;
	v14 =	vld [tilespmem:s13+$0x1410];
	s29 =	spop (v2sf)  }
0xf7: {  	v5 =	vbroadcast v3, $0xF;
	v3 =	vbroadcast v4, $0xF;
	v15 =	vld [tilespmem:s13+$0x20];
	s30 =	spop (v2sf)  }
0xf8: {  	v1 =	vbroadcast v1, $0xF;
	v17 =	vld [tilespmem:s13+$0xA20];
	s31 =	spop (v2sf);
	s0 =	ssub.f32 s30, s28  }
0xf9: {  	v16 =	vld [tilespmem:s13+$0x520];
	v7 =	vmin.f32 v2, v7;
	v10 =	vmax.f32 v5, v10;
	v6 =	vmin.f32 v3, v6;
	s1 =	ssub.f32 s31, s29  }
0xfa: {  	v12 =	vmax.f32 v1, v12;
	v8 =	vmin.f32 v3, v8;
	v6 =	vsub.f32 v6, v10;
	v10 =	vld [tilespmem:s13+$0xF20]  }
0xfb: {  	v11 =	vmax.f32 v1, v11;
	v9 =	vmin.f32 v2, v9;
	v7 =	vsub.f32 v7, v12;
	s0 =	smax.f32 s0, $0.0e+00;
	s1 =	smax.f32 s1, $0.0e+00  }
0xfc: {  	v15 =	vmax.f32 v1, v15;
	v9 =	vsub.f32 v9, v11;
	v11 =	vmax.f32 v5, v13;
	s0 =	smul.f32 s1, s0  }
0xfd: {  	v13 =	vmin.f32 v2, v17;
	v6 =	vmax.f32 v6, $0.0e+00;
	v7 =	vmax.f32 v7, $0.0e+00  }
0xfe: {  	v8 =	vsub.f32 v8, v11;
	v6 =	vmul.f32 v6, v7;
	v7 =	vld [tilespmem:s13+$0x1420];
	v4 =	vmov s0  }
0xff: {  	v11 =	vmax.f32 v5, v16;
	v10 =	vmin.f32 v3, v10;
	v12 =	vadd.f32 v14, v4;
	v14 =	vld [tilespmem:s13+$0x1400]  }
0x100: {  	v13 =	vsub.f32 v13, v15;
	v10 =	vsub.f32 v10, v11  }
0x101: {  	v9 =	vmax.f32 v9, $0.0e+00  }
0x102: {  	v8 =	vmax.f32 v8, $0.0e+00;
	v13 =	vmax.f32 v13, $0.0e+00;
	v10 =	vmax.f32 v10, $0.0e+00  }
0x103: {  	v7 =	vadd.f32 v7, v4;
	v20 =	vmul.f32 v10, v13;
	v12 =	vsub.f32 v12, v6  }
0x104: {  	v8 =	vmul.f32 v8, v9;
	v10 =	vadd.f32 v14, v4  }
0x105: {  	v7 =	vsub.f32 v7, v20;
	v12 =	vadd.f32 $9.999999710e-10, v12  }
0x106: {  	v10 =	vsub.f32 v10, v8  }
0x107: {  	s14 =	simm.s32 $0x40;
	v7 =	vadd.f32 $9.999999710e-10, v7;
	(erf) = vrcp.f32 v12  }
0x108: {  	v18 =	vld [tilespmem:s14+$0xA10];
	v10 =	vadd.f32 $9.999999710e-10, v10  }
0x109: {  	v19 =	vld [tilespmem:s14+$0xF00];
	(erf) = vrcp.f32 v7  }
0x10a: {  	v22 =	vld [tilespmem:s14+$0x510];
	(erf) = vrcp.f32 v10  }
0x10b: {  	v27 =	vld [tilespmem:s14+$0x20]  }
0x10c: {  	v17 =	vld [tilespmem:s13+$0xF30]  }
0x10d: {  	v16 =	vld [tilespmem:s13+$0x30]  }
0x10e: {  	v15 =	vld [tilespmem:s13+$0xA30]  }
0x10f: {  	v12 =	vld [tilespmem:s13+$0x1910]  }
0x110: {  	v11 =	vld [tilespmem:s13+$0x530];
	v7 =	vpop (erf)  }
0x111: {  	v9 =	vld [tilespmem:s13+$0x1430];
	v6 =	vmul.f32 v7, v6  }
0x112: {  	v14 =	vld [tilespmem:s14+$0xF10];
	v28 =	vpop (erf)  }
0x113: {  	v25 =	vld [tilespmem:s14+$0x500];
	v61 =	vmax.f32 v1, v27;
	vm1 =	vgt.f32 v6, $5.000000000e-01;
	v10 =	vpop (erf)  }
0x114: {  	v13 =	vld [tilespmem:s14+$0x1400];
	v6 =	vsel vm1, $0xFF800000, v12;
	v12 =	vmin.f32 v2, v15;
	v8 =	vmul.f32 v10, v8  }
0x115: {  	v24 =	vld [tilespmem:s14+$0x10];
	v15 =	vmax.f32 v5, v11;
	v10 =	vmax.f32 v1, v16;
	v16 =	vmin.f32 v3, v17  }
0x116: {  	v21 =	vld [tilespmem:s14+$0xA00];
	vm1 =	vgt.f32 v8, $5.000000000e-01;
	v8 =	vsub.f32 v12, v10;
	v12 =	vsub.f32 v16, v15  }
0x117: {  	v23 =	vld [tilespmem:s14+$0x0];
	v9 =	vadd.f32 v9, v4;
	v14 =	vmin.f32 v3, v14;
	v17 =	vmax.f32 v5, v22  }
0x118: {  	v26 =	vld [tilespmem:s14+$0x1410];
	v22 =	vmax.f32 v5, v25;
	v8 =	vmax.f32 v8, $0.0e+00;
	v12 =	vmax.f32 v12, $0.0e+00  }
0x119: {  	v7 =	vld [tilespmem:s13+$0x1900];
	[tilespmem:s13+$0x1910] =	vst v6;
	v14 =	vsub.f32 v14, v17;
	v17 =	vadd.f32 v13, v4;
	v12 =	vmul.f32 v12, v8  }
0x11a: {  	v13 =	vmax.f32 v1, v24;
	v15 =	vmin.f32 v3, v19;
	v16 =	vmin.f32 v2, v18;
	v19 =	vld [tilespmem:s14+$0x520]  }
0x11b: {  	v18 =	vmin.f32 v2, v21;
	v21 =	vld [tilespmem:s14+$0xA20];
	v13 =	vsub.f32 v16, v13;
	v9 =	vsub.f32 v9, v12  }
0x11c: {  	v10 =	vimm.f32 $-Inf;
	v16 =	vld [tilespmem:s14+$0xF20];
	v14 =	vmax.f32 v14, $0.0e+00;
	v15 =	vsub.f32 v15, v22  }
0x11d: {  	v22 =	vld [tilespmem:s14+$0x30];
	v8 =	vmax.f32 v1, v23;
	v13 =	vmax.f32 v13, $0.0e+00;
	v9 =	vadd.f32 $9.999999710e-10, v9  }
0x11e: {  	v8 =	vsub.f32 v18, v8;
	v13 =	vmul.f32 v14, v13;
	v14 =	vmax.f32 v15, $0.0e+00;
	v15 =	vld [tilespmem:s14+$0xA30]  }
0x11f: {  	v11 =	vsel vm1, $0xFF800000, v7;
	v18 =	vadd.f32 v26, v4;
	(erf) = vrcp.f32 v9  }
0x120: {  	v19 =	vmax.f32 v5, v19;
	v21 =	vmin.f32 v2, v21;
	v8 =	vmax.f32 v8, $0.0e+00  }
0x121: {  	v23 =	vld [tilespmem:s14+$0x530];
	v18 =	vsub.f32 v18, v13;
	v16 =	vmin.f32 v3, v16;
	v8 =	vmul.f32 v14, v8  }
0x122: {  	v22 =	vmax.f32 v1, v22;
	v14 =	vld [tilespmem:s14+$0x1420];
	v19 =	vsub.f32 v16, v19;
	v9 =	vsub.f32 v21, v61  }
0x123: {  	v21 =	vadd.f32 $9.999999710e-10, v18;
	v17 =	vsub.f32 v17, v8;
	v18 =	vld [tilespmem:s14+$0xF30];
	v63 =	vmin.f32 v2, v15  }
0x124: {  	v7 =	vimm.s32 $0x0;
	v62 =	vmax.f32 v19, $0.0e+00;
	v19 =	vld [tilespmem:s14+$0x1430];
	v22 =	vsub.f32 v63, v22  }
0x125: {  	v16 =	vld [tilespmem:s13+$0x1920];
	v9 =	vmax.f32 v9, $0.0e+00;
	(erf) = vrcp.f32 v21;
	v15 =	vadd.f32 $9.999999710e-10, v17  }
0x126: {  	s16 =	simm.s32 $0x0;
	s15 =	simm.s32 $0x0;
	s0 =	simm.s32 $0x200;
	v21 =	vmul.f32 v28, v20;
	v20 =	vmax.f32 v5, v23;
	v17 =	vld [tilespmem:s13+$0x1930];
	v9 =	vmul.f32 v62, v9  }
.LBB2_4:
0x127: {  	s1 =	sshra.s32 s0, $0x2  }
0x128: {  	v23 =	vld [tilespmem:s14+$0x1910];
	vm1 =	vgt.f32 v11, v10;
	vm2 =	vgt.f32 v21, $5.000000000e-01;
	s15 =	sadd.s32 $0x4, s15;
	v21 =	vpop (erf);
	s2 =	smov.u32 s0;
	s17 =	sadd.s32 $0x100, s0  }
0x129: {  	p1 =	sne.s32 s0, $0x1300;
	v18 =	vmin.f32 v3, v18;
	v24 =	vld [tilespmem:s1+$0x1400];
	v19 =	vadd.f32 v19, v4;
	v12 =	vmul.f32 v21, v12  }
0x12a: {  	v22 =	vmax.f32 v22, $0.0e+00;
	v10 =	vsel vm1, v11, v10;
	v16 =	vsel vm2, $0xFF800000, v16;
	v21 =	vld [tilespmem:s1+$0xF10]  }
0x12b: {  	v14 =	vadd.f32 v14, v4;
	s0 =	sadd.s32 $0x1, s16;
	v7 =	vsel vm1, s16, v7;
	vm1 =	vgt.f32 v6, v10;
	v25 =	vld [tilespmem:s1+$0xA10];
	[tilespmem:s13+$0x1920] =	vst v16  }
0x12c: {  	v6 =	vsel vm1, v6, v10;
	v7 =	vsel vm1, s0, v7;
	vm1 =	vgt.f32 v12, $5.000000000e-01;
	v26 =	vld [tilespmem:s1+$0xF00]  }
0x12d: {  	v10 =	vsub.f32 v14, v9;
	v12 =	vsub.f32 v18, v20;
	s0 =	sadd.s32 $0x2, s16;
	vm2 =	vgt.f32 v16, v6;
	v27 =	vld [tilespmem:s1+$0xA00]  }
0x12e: {  	v6 =	vsel vm2, v16, v6;
	v7 =	vsel vm2, s0, v7;
	v16 =	vsel vm1, $0xFF800000, v17;
	v14 =	vld [tilespmem:s1+$0x510];
	v18 =	vpop (erf)  }
0x12f: {  	s0 =	sadd.s32 $0x3, s16;
	s16 =	smov.u32 s15;
	vm1 =	vgt.f32 v16, v6;
	v17 =	vld [tilespmem:s1+$0x0];
	v13 =	vmul.f32 v18, v13;
	v18 =	vadd.f32 $9.999999710e-10, v10;
	[tilespmem:s13+$0x1930] =	vst v16  }
0x130: {  	v12 =	vmax.f32 v12, $0.0e+00;
	v10 =	vsel vm1, v16, v6;
	v7 =	vsel vm1, s0, v7;
	v20 =	vld [tilespmem:s1+$0x10];
	[tilespmem:s13+$0x1900] =	vst v11;
	s13 =	smov.u32 s14;
	s14 =	smov.u32 s1  }
0x131: {  	v11 =	vld [tilespmem:s14+$0x500];
	v16 =	vmin.f32 v3, v26;
	vm1 =	vgt.f32 v13, $5.000000000e-01;
	(erf) = vrcp.f32 v18  }
0x132: {  	v13 =	vmin.f32 v2, v25;
	v18 =	vld [tilespmem:s14+$0x1410];
	v6 =	vsel vm1, $0xFF800000, v23;
	(erf) = vrcp.f32 v15  }
0x133: {  	v12 =	vmul.f32 v12, v22;
	v15 =	vmin.f32 v3, v21;
	v14 =	vmax.f32 v5, v14;
	v21 =	vld [tilespmem:s14+$0x20];
	[tilespmem:s13+$0x1910] =	vst v6  }
0x134: {  	v22 =	vmin.f32 v2, v27;
	v17 =	vmax.f32 v1, v17;
	v14 =	vsub.f32 v15, v14;
	v15 =	vld [tilespmem:s14+$0x520]  }
0x135: {  	v19 =	vsub.f32 v19, v12;
	v23 =	vadd.f32 v24, v4;
	v20 =	vmax.f32 v1, v20;
	v24 =	vld [tilespmem:s14+$0xA20]  }
0x136: {  	v17 =	vsub.f32 v22, v17;
	v13 =	vsub.f32 v13, v20;
	v20 =	vmax.f32 v14, $0.0e+00;
	v22 =	vld [tilespmem:s14+$0xF20]  }
0x137: {  	v19 =	vadd.f32 $9.999999710e-10, v19;
	v11 =	vmax.f32 v5, v11;
	v18 =	vadd.f32 v18, v4;
	v14 =	vld [tilespmem:s14+$0x1420]  }
0x138: {  	v11 =	vsub.f32 v16, v11;
	v13 =	vmax.f32 v13, $0.0e+00;
	v25 =	vld [tilespmem:s14+$0x30]  }
0x139: {  	v16 =	vmax.f32 v17, $0.0e+00;
	v13 =	vmul.f32 v20, v13;
	v17 =	vld [tilespmem:s14+$0x530];
	(erf) = vrcp.f32 v19  }
0x13a: {  	v11 =	vmax.f32 v11, $0.0e+00;
	v15 =	vmax.f32 v5, v15;
	v19 =	vmin.f32 v2, v24;
	v20 =	vld [tilespmem:s14+$0xA30];
	v24 =	vpop (erf)  }
0x13b: {  	v21 =	vmax.f32 v1, v21;
	v11 =	vmul.f32 v11, v16;
	v18 =	vsub.f32 v18, v13;
	v16 =	vld [tilespmem:s13+$0x1920];
	v26 =	vpop (erf)  }
0x13c: {  	v22 =	vmin.f32 v3, v22;
	v19 =	vsub.f32 v19, v21;
	v21 =	vmul.f32 v26, v8;
	v26 =	vld [tilespmem:s13+$0x1900]  }
.Ltmp1:
0x13d: {  	v15 =	vsub.f32 v22, v15;
	v8 =	vmovc v11;
	v27 =	vadd.f32 $9.999999710e-10, v18;
	v22 =	vmax.f32 v1, v25;
	v18 =	vld [tilespmem:s14+$0xF30];
	(pc) =	sbr.rel @p1 .LBB2_4-.Ltmp1, $4  }
0x13e: {  	v11 =	vsub.f32 v23, v8;
	v23 =	vmax.f32 v19, $0.0e+00;
	v19 =	vld [tilespmem:s14+$0x1430];
	vm1 =	vgt.f32 v21, $5.000000000e-01  }
0x13f: {  	v25 =	vmax.f32 v15, $0.0e+00;
	v28 =	vmin.f32 v2, v20;
	(erf) = vrcp.f32 v27  }
0x140: {  	v21 =	vmul.f32 v24, v9;
	v15 =	vadd.f32 $9.999999710e-10, v11;
	v9 =	vmul.f32 v25, v23  }
0x141: {  	s0 =	smov.u32 s17;
	v20 =	vmax.f32 v5, v17;
	v22 =	vsub.f32 v28, v22;
	v11 =	vsel vm1, $0xFF800000, v26;
	v17 =	vld [tilespmem:s13+$0x1930]  }
0x142: {  	v1 =	vadd.f32 v14, v4;
	_ =	sdelay $0x1  }
0x143: {  	v1 =	vsub.f32 v1, v9;
	_ =	sdelay $0x1  }
0x144: {  	v2 =	vmin.f32 v3, v18;
	v1 =	vadd.f32 $9.999999710e-10, v1  }
0x145: {  	v2 =	vsub.f32 v2, v20;
	_ =	sdelay $0x1  }
0x146: {  	v3 =	vmax.f32 v22, $0.0e+00;
	v2 =	vmax.f32 v2, $0.0e+00;
	(erf) = vrcp.f32 v1  }
0x147: {  	v50 =	vadd.f32 v19, v4;
	v2 =	vmul.f32 v2, v3;
	v1 =	vpop (erf);
	(erf) = vrcp.f32 v15;
	_ =	sdelay $0x1  }
0x148: {  	vm1 =	vgt.f32 v21, $5.000000000e-01;
	v3 =	vld [tilespmem:s14+$0x1910];
	v4 =	vsub.f32 v50, v2;
	v1 =	vmul.f32 v1, v12  }
0x149: {  	v51 =	vsel vm1, $0xFF800000, v16;
	v5 =	vpop (erf)  }
0x14a: {  	v4 =	vadd.f32 $9.999999710e-10, v4;
	vm1 =	vgt.f32 v1, $5.000000000e-01;
	v1 =	vmul.f32 v5, v13  }
0x14b: {  	vm2 =	vgt.f32 v11, v10;
	[tilespmem:s13+$0x1920] =	vst v51  }
0x14c: {  	[tilespmem:s13+$0x1900] =	vst v11;
	(erf) = vrcp.f32 v4;
	v52 =	vsel vm1, $0xFF800000, v17;
	vm1 =	vgt.f32 v1, $5.000000000e-01  }
0x14d: {  	[tilespmem:s13+$0x1930] =	vst v52;
	v1 =	vsel vm1, $0xFF800000, v3;
	v3 =	vsel vm2, v11, v10  }
0x14e: {  	v54 =	vld [tilespmem:s14+$0x1900];
	vm1 =	vgt.f32 v6, v3;
	v53 =	vpop (erf)  }
0x14f: {  	v3 =	vsel vm1, v6, v3;
	v55 =	vpop (erf)  }
0x150: {  	vm3 =	vgt.f32 v51, v3;
	v6 =	vmul.f32 v55, v8  }
0x151: {  	v3 =	vsel vm3, v51, v3  }
0x152: {  	v57 =	vsel vm2, s16, v7;
	v56 =	vld [tilespmem:s14+$0x1920];
	vm4 =	vgt.f32 v52, v3;
	vm5 =	vgt.f32 v6, $5.000000000e-01  }
0x153: {  	s0 =	sadd.s32 $0x1, s16;
	v4 =	vmul.f32 v53, v9;
	v3 =	vsel vm4, v52, v3;
	v58 =	vsel vm5, $0xFF800000, v54  }
0x154: {  	v59 =	vld [tilespmem:s14+$0x1930];
	v6 =	vsel vm1, s0, v57;
	vm1 =	vgt.f32 v58, v3  }
0x155: {  	s28 =	sadd.s32 $0x2, s16;
	s12 =	sadd.s32 $0x1, s12;
	vm2 =	vgt.f32 v4, $5.000000000e-01;
	v60 =	vpop (erf);
	v3 =	vsel vm1, v58, v3  }
0x156: {  	s29 =	sadd.s32 $0x3, s16;
	p0 =	sne.s32 s12, $0x64;
	v2 =	vmul.f32 v60, v2;
	v6 =	vsel vm3, s28, v6;
	vm3 =	vgt.f32 v1, v3  }
.Ltmp2:
0x157: {  	s30 =	sadd.s32 $0x4, s15;
	[tilespmem:s14+$0x1910] =	vst v1;
	v62 =	vsel vm2, $0xFF800000, v56;
	v61 =	vsel vm4, s29, v6;
	v1 =	vsel vm3, v1, v3;
	(pc) =	sbr.rel @p0 .LBB2_3-.Ltmp2, $4  }
0x158: {  	s1 =	sadd.s32 $0x1, s30;
	v3 =	vsel vm1, s30, v61;
	vm1 =	vgt.f32 v2, $5.000000000e-01;
	vm2 =	vgt.f32 v62, v1  }
0x159: {  	s31 =	sadd.s32 $0x2, s30;
	[tilespmem:s14+$0x1920] =	vst v62;
	v2 =	vsel vm3, s1, v3;
	v3 =	vsel vm1, $0xFF800000, v59;
	v1 =	vsel vm2, v62, v1  }
0x15a: {  	s0 =	sadd.s32 $0x3, s30;
	[tilespmem:s14+$0x1900] =	vst v58;
	v63 =	vsel vm2, s31, v2;
	vm1 =	vgt.f32 v3, v1  }
0x15b: {  	[tilespmem:s14+$0x1930] =	vst v3;
	v2 =	vsel vm1, v3, v1;
	v1 =	vsel vm1, s0, v63  }
0x15c: {  	s0 =	sld [smem:$0x7FD];
	_ =	sdelay $0x2  }
0x15d: {  	p0 =	seq.s32 s0, $0x1  }
0x15e: {  	_ =	sfence.sel @p0 $0x180000  }
0x15f: {  	[bflag:$0x0] =	sbarrier.arrive @p0 $0xFFFF  }
0x160: {  	_ =	strace @p0 $0x90000047  }
0x161: {  	[bflag:$0x2] =	sbarrier.arrive @p0 $0xFFFF  }
0x162: {  	s0 =	simm.s32 @!p0 $0x0;
	s1 =	simm.s32 @!p0 $0x1F80;
	s2 =	rddreg [dreg:$0x5]  }
0x163: {  	[hbm4b:s2+s0] =	stream.linear.scatter @!p0 [tilespmem:s1], [sflag:$0x1], $0x680, $0x38;
	[tilespmem:$0x2620] =	vst v63  }
0x164: {  	s0 =	simm.s32 @!p0 $0x1  }
0x165: {  	_ =	swait.ge @!p0 [sflag:s0], $0x680  }
0x166: {  	[sflag:s0] =	ssyncset.done @!p0 $0x0  }
0x167: {  	[sflag:s0] =	ssyncadd.s32 @!p0 $0xFFFFF980  }
0x168: {  	_ =	sfence.sel @!p0 $0x180000  }
0x169: {  	[bflag:$0x0] =	sbarrier.arrive @!p0 $0xFFFF  }
0x16a: {  	_ =	strace @!p0 $0x90000047  }
0x16b: {  	[bflag:$0x2] =	sbarrier.arrive @!p0 $0xFFFF  }
0x16c: {  	s0 =	rddreg [dreg:$0x7]  }
0x16d: {  	s0 =	sadd.s32 @!p0 $0x100000, s0  }
0x16e: {  	[sflag:s0] =	ssyncadd.tile.s32 @!p0 $0x1;
	_ =	shalt  }
.Lfunc_end2:
_tile_overlayer_lowered:
.L_overlay_start_2:
0x16f: {  	(tag) =	ssettag $0x2  }
0x170: {  	s0 =	rddreg [dreg:$0x0];
	s2 =	stileid.u32  }
0x171: {  	s1 =	rddreg [dreg:$0x1];
	p0 =	sne.s32 s2, $0x0  }
0x172: {  	s3 =	rddreg [dreg:$0x2];
	[bflag:$0x3] =	sbarrier.arrive $0xFFFF;
	s2 =	simm.s32 @!p0 $0x1C01  }
0x173: {  	[timem:s3], [sflag:s2] =	dma.local @!p0 [hbm:s0], s1  }
0x174: {  	s0 =	simm.s32 @!p0 $0x1  }
0x175: {  	_ =	swait.ge @!p0 [sflag:s0], s1  }
0x176: {  	s1 =	ssub.s32 @!p0 $0x0, s1;
	[sflag:s0] =	ssyncset.done @!p0 $0x0  }
0x177: {  	[sflag:s0] =	ssyncadd.s32 @!p0 s1  }
0x178: {  	[bflag:$0x3] =	sbarrier.arrive $0xFFFF  }
0x179: {  	_ =	shalt  }

</sc_bundles>
